<compile_context>
chip_gen: v7x
topology: tpu7x:2x2x1
jax: 0.10.2.dev20260603
libtpu: 0.0.44.dev20260713+nightly
codegen_flags: <defaults>
</compile_context>

<pallas_src>
import functools

import jax
import jax.numpy as jnp
from jax import lax
from jax.experimental import pallas as pl
from jax.experimental.pallas import tpu as pltpu
from jax.experimental.pallas import tpu_sc as plsc

_RB = 64
_K = 3


def _pooled_body(l, v, ids_ref, emb_ref, W_ref, b_ref, pooled_ref):
    ids = ids_ref[0]
    tb = ids.shape[1]
    rb = tb // l
    iota_v = lax.broadcasted_iota(jnp.int32, (v, tb), 0)
    onehot_t = (iota_v == ids).astype(jnp.float32)
    t_iota = lax.broadcasted_iota(jnp.int32, (tb, rb), 0)
    r_iota = lax.broadcasted_iota(jnp.int32, (tb, rb), 1)
    seg = (t_iota // l == r_iota).astype(jnp.float32)
    counts_t = lax.dot_general(
        onehot_t, seg, (((1,), (0,)), ((), ())),
        preferred_element_type=jnp.float32)
    pooled = lax.dot_general(
        counts_t, emb_ref[...], (((0,), (0,)), ((), ())),
        preferred_element_type=jnp.float32) * (1.0 / l)
    pooled = lax.dot_general(
        pooled, W_ref[...], (((1,), (1,)), ((), ())),
        preferred_element_type=jnp.float32)
    pooled_ref[...] = pooled + b_ref[...]


def _make_sc_gather(n_rows, lanes, h, n_workers, v):
    rows_per_w = n_rows // n_workers
    mesh = plsc.VectorSubcoreMesh(core_axis_name="c", subcore_axis_name="s")

    def body(ids_hbm, emb_hbm, out_hbm, idx_v, table_v, rows0, rows1,
             gs0, gs1, ws0, ws1):
        sid = lax.axis_index("s")
        wid = sid * plsc.get_sparse_core_info().num_cores \
            + lax.axis_index("c")
        base = wid * rows_per_w

        @pl.when(sid == 0)
        def _stage_table():
            pltpu.sync_copy(emb_hbm, table_v)

        plsc.subcore_barrier()
        pltpu.sync_copy(ids_hbm.at[pl.ds(base, rows_per_w)], idx_v)
        nfull = rows_per_w // _K
        rem = rows_per_w - nfull * _K
        npairs = nfull // 2

        def fire_g(rows_v, sem, c):
            row0 = c * _K
            for j in range(_K):
                pltpu.async_copy(
                    table_v.at[idx_v.at[row0 + j]], rows_v.at[j], sem)

        def drain_g(rows_v, sem, k=_K):
            pltpu.make_async_copy(
                out_hbm.at[pl.ds(base, k)], rows_v.at[pl.ds(0, k)],
                sem).wait()

        def fire_w(rows_v, sem, c, k=_K):
            pltpu.make_async_copy(
                rows_v.at[pl.ds(0, k)],
                out_hbm.at[pl.ds(base + c * _K, k)], sem).start()

        def drain_w(rows_v, sem, k=_K):
            pltpu.make_async_copy(
                rows_v.at[pl.ds(0, k)], out_hbm.at[pl.ds(base, k)],
                sem).wait()

        fire_g(rows0, gs0, 0)
        fire_g(rows1, gs1, 1)

        def pair(p, carry):
            c0 = 2 * p
            drain_g(rows0, gs0)
            fire_w(rows0, ws0, c0)
            drain_g(rows1, gs1)
            fire_w(rows1, ws1, c0 + 1)
            drain_w(rows0, ws0)
            fire_g(rows0, gs0, c0 + 2)
            drain_w(rows1, ws1)
            fire_g(rows1, gs1, c0 + 3)
            return carry

        lax.fori_loop(0, npairs - 1, pair, 0)

        c0 = 2 * (npairs - 1)
        drain_g(rows0, gs0)
        fire_w(rows0, ws0, c0)
        drain_g(rows1, gs1)
        fire_w(rows1, ws1, c0 + 1)
        drain_w(rows0, ws0)
        if rem:
            row0 = nfull * _K
            for j in range(rem):
                pltpu.async_copy(
                    table_v.at[idx_v.at[row0 + j]], rows0.at[j], gs0)
            drain_g(rows0, gs0, rem)
            pltpu.make_async_copy(
                rows0.at[pl.ds(0, rem)],
                out_hbm.at[pl.ds(base + row0, rem)], ws0).start()
            drain_w(rows0, ws0, rem)
        drain_w(rows1, ws1)

    return pl.kernel(
        body,
        mesh=mesh,
        out_type=jax.ShapeDtypeStruct((n_rows, lanes, h), jnp.float32),
        scratch_types=[
            pltpu.VMEM((rows_per_w, lanes), jnp.int32),
            pltpu.VMEM_SHARED((v, h), jnp.float32),
            pltpu.VMEM((_K, lanes, h), jnp.float32),
            pltpu.VMEM((_K, lanes, h), jnp.float32),
            pltpu.SemaphoreType.DMA,
            pltpu.SemaphoreType.DMA,
            pltpu.SemaphoreType.DMA,
            pltpu.SemaphoreType.DMA,
        ],
    )


@jax.jit
def kernel(input_ids, attention_mask, emb, W, b):
    del attention_mask
    ids = input_ids.astype(jnp.int32)
    bsz, l = ids.shape
    v, h = emb.shape
    lanes = 128
    n_rows = (bsz * l) // lanes
    info = plsc.get_sparse_core_info()
    n_workers = info.num_cores * info.num_subcores

    ids2 = ids.reshape(n_rows, lanes)
    embeds2 = _make_sc_gather(n_rows, lanes, h, n_workers, v)(ids2, emb)

    nb = bsz // _RB
    tb = _RB * l
    ids3 = ids.reshape(nb, 1, tb)
    pooled = pl.pallas_call(
        functools.partial(_pooled_body, l, v),
        grid=(nb,),
        in_specs=[
            pl.BlockSpec((1, 1, tb), lambda i: (i, 0, 0)),
            pl.BlockSpec((v, h), lambda i: (0, 0)),
            pl.BlockSpec((h, h), lambda i: (0, 0)),
            pl.BlockSpec((1, h), lambda i: (0, 0)),
        ],
        out_specs=pl.BlockSpec((_RB, h), lambda i: (i, 0)),
        out_shape=jax.ShapeDtypeStruct((bsz, h), jnp.float32),
    )(ids3, emb, W, b.reshape(1, h))

    return (pooled, embeds2.reshape(bsz, l, h))

# --- scband reference (transcript-rebuilt; emitter-appended) ---
"""Pipeline reference for scband-dummy-text-model-5360119185845 (READ-ONLY COPY).

The authoritative reference and input builder live on the scoring server;
editing this copy changes nothing except your own understanding.
"""

import jax, jax.numpy as jnp
import numpy as np

B, L, H, V = 4096, 200, 128, 32

def setup_inputs(seed: int = 0) -> dict:
    key = jax.random.key(seed)
    k1, k2, k3, k4 = jax.random.split(key, 4)
    input_ids = jax.random.randint(k1, (B, L), 0, V, dtype=jnp.int64) if jax.config.jax_enable_x64 else jax.random.randint(k1, (B, L), 0, V, dtype=jnp.int32)
    attention_mask = jnp.ones((B, L), dtype=input_ids.dtype)
    emb = jax.random.normal(k2, (V, H), dtype=jnp.float32)
    W = jax.random.normal(k3, (H, H), dtype=jnp.float32) * (1.0 / np.sqrt(H))
    b = jax.random.normal(k4, (H,), dtype=jnp.float32) * 0.01
    return {"input_ids": input_ids, "attention_mask": attention_mask, "emb": emb, "W": W, "b": b}

def reference(input_ids, attention_mask, emb, W, b):
    # embeds = self.emb(input_ids)  -> gather rows of embedding table
    embeds = jnp.take(emb, input_ids, axis=0)          # [B, L, H]
    # pooled = embeds.mean(dim=1)
    pooled = embeds.mean(axis=1)                        # [B, H]
    # pooled = self.proj(pooled)  (torch Linear: x @ W.T + b)
    pooled = pooled @ W.T + b                           # [B, H]
    # Outputs(pooler_output=pooled, last_hidden_state=embeds)
    return (pooled, embeds)

if __name__ == "__main__":
    import jax
    _d = setup_inputs()
    print(jax.jit(kernel)(*tuple(_d.values())))

</pallas_src>

<mosaic_0001>
#map = affine_map<(d0, d1) -> (0, 0)>
#map1 = affine_map<(d0, d1) -> (0, 0, 0)>
module attributes {stable_mosaic.version = 14 : i64} {
  func.func @body(%arg0: i32, %arg1: i32, %arg2: memref<6400x128xi32, #tpu.memory_space<hbm>>, %arg3: memref<32x128xf32, #tpu.memory_space<hbm>>, %arg4: memref<6400x128x128xf32, #tpu.memory_space<hbm>>, %arg5: memref<200x128xi32, #tpu.memory_space<vmem>>, %arg6: memref<32x128xf32, #tpu.memory_space<vmem_shared>>, %arg7: memref<3x128x128xf32, #tpu.memory_space<vmem>>, %arg8: memref<3x128x128xf32, #tpu.memory_space<vmem>>, %arg9: memref<!tpu.dma_semaphore, #tpu.memory_space<semaphore_mem>>, %arg10: memref<!tpu.dma_semaphore, #tpu.memory_space<semaphore_mem>>, %arg11: memref<!tpu.dma_semaphore, #tpu.memory_space<semaphore_mem>>, %arg12: memref<!tpu.dma_semaphore, #tpu.memory_space<semaphore_mem>>) attributes {dimension_semantics = [#tpu.dimension_semantics<core_parallel>, #tpu.dimension_semantics<subcore_parallel>], iteration_bounds = array<i64: 2, 16>, scalar_prefetch = 0 : i64, scratch_operands = 8 : i64, tpu.core_type = #tpu.core_type<sc_vector_subcore>, window_params = [{transform_indices = #map}, {transform_indices = #map}, {transform_indices = #map1}]} {
    %mul3A = arith.constant 2 : i32
    %mul3A_0 = arith.muli %arg1, %mul3A : i32
    %add3A = arith.addi %mul3A_0, %arg0 : i32
    %mul3A_1 = arith.constant 200 : i32
    %mul3A_2 = arith.muli %add3A, %mul3A_1 : i32
    %eq3A = arith.constant 0 : i32
    %eq3A_3 = arith.cmpi eq, %arg1, %eq3A : i32
    %convert_element_type3A = arith.extui %eq3A_3 : i1 to i32
    %cond3A = arith.constant 0 : i32
    %cond3A_4 = arith.cmpi ne, %convert_element_type3A, %cond3A : i32
    scf.if %cond3A_4 {
      "tpu.region"() ({
        %run_scoped3A = tpu.sem_alloc : memref<!tpu.dma_semaphore, #tpu.memory_space<semaphore_mem>>
        tpu.enqueue_dma source(%arg3 : memref<32x128xf32, #tpu.memory_space<hbm>>) target(%arg6 : memref<32x128xf32, #tpu.memory_space<vmem_shared>>) target_semaphore(%run_scoped3A : memref<!tpu.dma_semaphore, #tpu.memory_space<semaphore_mem>>)
        tpu.wait_dma2 semaphore(%run_scoped3A : memref<!tpu.dma_semaphore, #tpu.memory_space<semaphore_mem>>) src(%arg3 : memref<32x128xf32, #tpu.memory_space<hbm>>) dst(%arg6 : memref<32x128xf32, #tpu.memory_space<vmem_shared>>)
        tpu.yield
      }) : () -> ()
    } else {
    }
    %barrier3A = arith.constant 0 : index
    tpu.barrier barrier_id(%barrier3A)
    "tpu.region"() ({
      %run_scoped3A = tpu.sem_alloc : memref<!tpu.dma_semaphore, #tpu.memory_space<semaphore_mem>>
      %dma_start3A_236 = arith.constant 0 : i32
      %dma_start3A_237 = tpu.memref_slice %arg2[%mul3A_2, %dma_start3A_236] : memref<6400x128xi32, #tpu.memory_space<hbm>> -> memref<200x128xi32, #tpu.memory_space<hbm>>
      %dma_start3A_238 = arith.constant 0 : i32
      %dma_start3A_239 = tpu.memref_slice %arg2[%mul3A_2, %dma_start3A_238] : memref<6400x128xi32, #tpu.memory_space<hbm>> -> memref<200x128xi32, #tpu.memory_space<hbm>>
      tpu.enqueue_dma source(%dma_start3A_239 : memref<200x128xi32, #tpu.memory_space<hbm>>) target(%arg5 : memref<200x128xi32, #tpu.memory_space<vmem>>) target_semaphore(%run_scoped3A : memref<!tpu.dma_semaphore, #tpu.memory_space<semaphore_mem>>)
      %dma_wait3A_240 = arith.constant 0 : i32
      %dma_wait3A_241 = tpu.memref_slice %arg2[%mul3A_2, %dma_wait3A_240] : memref<6400x128xi32, #tpu.memory_space<hbm>> -> memref<200x128xi32, #tpu.memory_space<hbm>>
      %dma_wait3A_242 = arith.constant 0 : i32
      %dma_wait3A_243 = tpu.memref_slice %arg2[%mul3A_2, %dma_wait3A_242] : memref<6400x128xi32, #tpu.memory_space<hbm>> -> memref<200x128xi32, #tpu.memory_space<hbm>>
      tpu.wait_dma2 semaphore(%run_scoped3A : memref<!tpu.dma_semaphore, #tpu.memory_space<semaphore_mem>>) src(%dma_wait3A_243 : memref<200x128xi32, #tpu.memory_space<hbm>>) dst(%arg5 : memref<200x128xi32, #tpu.memory_space<vmem>>)
      tpu.yield
    }) : () -> ()
    %dma_start3A = arith.constant 0 : i32
    %dma_start3A_5 = arith.constant 0 : i32
    %dma_start3A_6 = arith.constant 0 : i32
    %dma_start3A_7 = arith.constant 0 : i32
    %dma_start3A_8 = tpu.memref_slice %arg7[%dma_start3A_5, %dma_start3A_6, %dma_start3A_7] : memref<3x128x128xf32, #tpu.memory_space<vmem>> -> memref<1x128x128xf32, #tpu.memory_space<vmem>>
    %dma_start3A_9 = tpu.memref_squeeze %dma_start3A_8 : memref<1x128x128xf32, #tpu.memory_space<vmem>> -> memref<128x128xf32, #tpu.memory_space<vmem>>
    %dma_start3A_10 = arith.constant 0 : i32
    %dma_start3A_11 = tpu.memref_slice %arg5[%dma_start3A, %dma_start3A_10] : memref<200x128xi32, #tpu.memory_space<vmem>> -> memref<1x128xi32, #tpu.memory_space<vmem>>
    %dma_start3A_12 = tpu.memref_squeeze %dma_start3A_11 : memref<1x128xi32, #tpu.memory_space<vmem>> -> memref<128xi32, #tpu.memory_space<vmem>>
    %dma_start3A_13 = arith.constant 0 : i32
    %dma_start3A_14 = arith.constant 0 : i32
    %dma_start3A_15 = tpu.memref_slice %arg6[%dma_start3A_13, %dma_start3A_14] : memref<32x128xf32, #tpu.memory_space<vmem_shared>> -> memref<32x128xf32, #tpu.memory_space<vmem_shared>>
    tpu.enqueue_indirect_dma source(%dma_start3A_15 : memref<32x128xf32, #tpu.memory_space<vmem_shared>>) target(%dma_start3A_9 : memref<128x128xf32, #tpu.memory_space<vmem>>) offsets(%dma_start3A_12 : memref<128xi32, #tpu.memory_space<vmem>>) semaphore(%arg9 : memref<!tpu.dma_semaphore, #tpu.memory_space<semaphore_mem>>)
    %dma_start3A_16 = arith.constant 1 : i32
    %dma_start3A_17 = arith.constant 1 : i32
    %dma_start3A_18 = arith.constant 0 : i32
    %dma_start3A_19 = arith.constant 0 : i32
    %dma_start3A_20 = tpu.memref_slice %arg7[%dma_start3A_17, %dma_start3A_18, %dma_start3A_19] : memref<3x128x128xf32, #tpu.memory_space<vmem>> -> memref<1x128x128xf32, #tpu.memory_space<vmem>>
    %dma_start3A_21 = tpu.memref_squeeze %dma_start3A_20 : memref<1x128x128xf32, #tpu.memory_space<vmem>> -> memref<128x128xf32, #tpu.memory_space<vmem>>
    %dma_start3A_22 = arith.constant 0 : i32
    %dma_start3A_23 = tpu.memref_slice %arg5[%dma_start3A_16, %dma_start3A_22] : memref<200x128xi32, #tpu.memory_space<vmem>> -> memref<1x128xi32, #tpu.memory_space<vmem>>
    %dma_start3A_24 = tpu.memref_squeeze %dma_start3A_23 : memref<1x128xi32, #tpu.memory_space<vmem>> -> memref<128xi32, #tpu.memory_space<vmem>>
    %dma_start3A_25 = arith.constant 0 : i32
    %dma_start3A_26 = arith.constant 0 : i32
    %dma_start3A_27 = tpu.memref_slice %arg6[%dma_start3A_25, %dma_start3A_26] : memref<32x128xf32, #tpu.memory_space<vmem_shared>> -> memref<32x128xf32, #tpu.memory_space<vmem_shared>>
    tpu.enqueue_indirect_dma source(%dma_start3A_27 : memref<32x128xf32, #tpu.memory_space<vmem_shared>>) target(%dma_start3A_21 : memref<128x128xf32, #tpu.memory_space<vmem>>) offsets(%dma_start3A_24 : memref<128xi32, #tpu.memory_space<vmem>>) semaphore(%arg9 : memref<!tpu.dma_semaphore, #tpu.memory_space<semaphore_mem>>)
    %dma_start3A_28 = arith.constant 2 : i32
    %dma_start3A_29 = arith.constant 2 : i32
    %dma_start3A_30 = arith.constant 0 : i32
    %dma_start3A_31 = arith.constant 0 : i32
    %dma_start3A_32 = tpu.memref_slice %arg7[%dma_start3A_29, %dma_start3A_30, %dma_start3A_31] : memref<3x128x128xf32, #tpu.memory_space<vmem>> -> memref<1x128x128xf32, #tpu.memory_space<vmem>>
    %dma_start3A_33 = tpu.memref_squeeze %dma_start3A_32 : memref<1x128x128xf32, #tpu.memory_space<vmem>> -> memref<128x128xf32, #tpu.memory_space<vmem>>
    %dma_start3A_34 = arith.constant 0 : i32
    %dma_start3A_35 = tpu.memref_slice %arg5[%dma_start3A_28, %dma_start3A_34] : memref<200x128xi32, #tpu.memory_space<vmem>> -> memref<1x128xi32, #tpu.memory_space<vmem>>
    %dma_start3A_36 = tpu.memref_squeeze %dma_start3A_35 : memref<1x128xi32, #tpu.memory_space<vmem>> -> memref<128xi32, #tpu.memory_space<vmem>>
    %dma_start3A_37 = arith.constant 0 : i32
    %dma_start3A_38 = arith.constant 0 : i32
    %dma_start3A_39 = tpu.memref_slice %arg6[%dma_start3A_37, %dma_start3A_38] : memref<32x128xf32, #tpu.memory_space<vmem_shared>> -> memref<32x128xf32, #tpu.memory_space<vmem_shared>>
    tpu.enqueue_indirect_dma source(%dma_start3A_39 : memref<32x128xf32, #tpu.memory_space<vmem_shared>>) target(%dma_start3A_33 : memref<128x128xf32, #tpu.memory_space<vmem>>) offsets(%dma_start3A_36 : memref<128xi32, #tpu.memory_space<vmem>>) semaphore(%arg9 : memref<!tpu.dma_semaphore, #tpu.memory_space<semaphore_mem>>)
    %dma_start3A_40 = arith.constant 3 : i32
    %dma_start3A_41 = arith.constant 0 : i32
    %dma_start3A_42 = arith.constant 0 : i32
    %dma_start3A_43 = arith.constant 0 : i32
    %dma_start3A_44 = tpu.memref_slice %arg8[%dma_start3A_41, %dma_start3A_42, %dma_start3A_43] : memref<3x128x128xf32, #tpu.memory_space<vmem>> -> memref<1x128x128xf32, #tpu.memory_space<vmem>>
    %dma_start3A_45 = tpu.memref_squeeze %dma_start3A_44 : memref<1x128x128xf32, #tpu.memory_space<vmem>> -> memref<128x128xf32, #tpu.memory_space<vmem>>
    %dma_start3A_46 = arith.constant 0 : i32
    %dma_start3A_47 = tpu.memref_slice %arg5[%dma_start3A_40, %dma_start3A_46] : memref<200x128xi32, #tpu.memory_space<vmem>> -> memref<1x128xi32, #tpu.memory_space<vmem>>
    %dma_start3A_48 = tpu.memref_squeeze %dma_start3A_47 : memref<1x128xi32, #tpu.memory_space<vmem>> -> memref<128xi32, #tpu.memory_space<vmem>>
    %dma_start3A_49 = arith.constant 0 : i32
    %dma_start3A_50 = arith.constant 0 : i32
    %dma_start3A_51 = tpu.memref_slice %arg6[%dma_start3A_49, %dma_start3A_50] : memref<32x128xf32, #tpu.memory_space<vmem_shared>> -> memref<32x128xf32, #tpu.memory_space<vmem_shared>>
    tpu.enqueue_indirect_dma source(%dma_start3A_51 : memref<32x128xf32, #tpu.memory_space<vmem_shared>>) target(%dma_start3A_45 : memref<128x128xf32, #tpu.memory_space<vmem>>) offsets(%dma_start3A_48 : memref<128xi32, #tpu.memory_space<vmem>>) semaphore(%arg10 : memref<!tpu.dma_semaphore, #tpu.memory_space<semaphore_mem>>)
    %dma_start3A_52 = arith.constant 4 : i32
    %dma_start3A_53 = arith.constant 1 : i32
    %dma_start3A_54 = arith.constant 0 : i32
    %dma_start3A_55 = arith.constant 0 : i32
    %dma_start3A_56 = tpu.memref_slice %arg8[%dma_start3A_53, %dma_start3A_54, %dma_start3A_55] : memref<3x128x128xf32, #tpu.memory_space<vmem>> -> memref<1x128x128xf32, #tpu.memory_space<vmem>>
    %dma_start3A_57 = tpu.memref_squeeze %dma_start3A_56 : memref<1x128x128xf32, #tpu.memory_space<vmem>> -> memref<128x128xf32, #tpu.memory_space<vmem>>
    %dma_start3A_58 = arith.constant 0 : i32
    %dma_start3A_59 = tpu.memref_slice %arg5[%dma_start3A_52, %dma_start3A_58] : memref<200x128xi32, #tpu.memory_space<vmem>> -> memref<1x128xi32, #tpu.memory_space<vmem>>
    %dma_start3A_60 = tpu.memref_squeeze %dma_start3A_59 : memref<1x128xi32, #tpu.memory_space<vmem>> -> memref<128xi32, #tpu.memory_space<vmem>>
    %dma_start3A_61 = arith.constant 0 : i32
    %dma_start3A_62 = arith.constant 0 : i32
    %dma_start3A_63 = tpu.memref_slice %arg6[%dma_start3A_61, %dma_start3A_62] : memref<32x128xf32, #tpu.memory_space<vmem_shared>> -> memref<32x128xf32, #tpu.memory_space<vmem_shared>>
    tpu.enqueue_indirect_dma source(%dma_start3A_63 : memref<32x128xf32, #tpu.memory_space<vmem_shared>>) target(%dma_start3A_57 : memref<128x128xf32, #tpu.memory_space<vmem>>) offsets(%dma_start3A_60 : memref<128xi32, #tpu.memory_space<vmem>>) semaphore(%arg10 : memref<!tpu.dma_semaphore, #tpu.memory_space<semaphore_mem>>)
    %dma_start3A_64 = arith.constant 5 : i32
    %dma_start3A_65 = arith.constant 2 : i32
    %dma_start3A_66 = arith.constant 0 : i32
    %dma_start3A_67 = arith.constant 0 : i32
    %dma_start3A_68 = tpu.memref_slice %arg8[%dma_start3A_65, %dma_start3A_66, %dma_start3A_67] : memref<3x128x128xf32, #tpu.memory_space<vmem>> -> memref<1x128x128xf32, #tpu.memory_space<vmem>>
    %dma_start3A_69 = tpu.memref_squeeze %dma_start3A_68 : memref<1x128x128xf32, #tpu.memory_space<vmem>> -> memref<128x128xf32, #tpu.memory_space<vmem>>
    %dma_start3A_70 = arith.constant 0 : i32
    %dma_start3A_71 = tpu.memref_slice %arg5[%dma_start3A_64, %dma_start3A_70] : memref<200x128xi32, #tpu.memory_space<vmem>> -> memref<1x128xi32, #tpu.memory_space<vmem>>
    %dma_start3A_72 = tpu.memref_squeeze %dma_start3A_71 : memref<1x128xi32, #tpu.memory_space<vmem>> -> memref<128xi32, #tpu.memory_space<vmem>>
    %dma_start3A_73 = arith.constant 0 : i32
    %dma_start3A_74 = arith.constant 0 : i32
    %dma_start3A_75 = tpu.memref_slice %arg6[%dma_start3A_73, %dma_start3A_74] : memref<32x128xf32, #tpu.memory_space<vmem_shared>> -> memref<32x128xf32, #tpu.memory_space<vmem_shared>>
    tpu.enqueue_indirect_dma source(%dma_start3A_75 : memref<32x128xf32, #tpu.memory_space<vmem_shared>>) target(%dma_start3A_69 : memref<128x128xf32, #tpu.memory_space<vmem>>) offsets(%dma_start3A_72 : memref<128xi32, #tpu.memory_space<vmem>>) semaphore(%arg10 : memref<!tpu.dma_semaphore, #tpu.memory_space<semaphore_mem>>)
    %scan3A = arith.constant 0 : i32
    %scan3A_76 = arith.constant 0 : i32
    %scan3A_77 = arith.constant 32 : i32
    %scan3A_78 = arith.addi %scan3A_76, %scan3A_77 : i32
    %scan3A_79 = arith.constant 1 : i32
    scf.for %scan3A_236 = %scan3A_76 to %scan3A_78 step %scan3A_79  : i32 {
      %mul3A_237 = arith.constant 2 : i32
      %mul3A_238 = arith.muli %mul3A_237, %scan3A_236 : i32
      %dma_wait3A_239 = arith.constant 0 : i32
      %dma_wait3A_240 = arith.constant 0 : i32
      %dma_wait3A_241 = arith.constant 0 : i32
      %dma_wait3A_242 = tpu.memref_slice %arg7[%dma_wait3A_239, %dma_wait3A_240, %dma_wait3A_241] : memref<3x128x128xf32, #tpu.memory_space<vmem>> -> memref<3x128x128xf32, #tpu.memory_space<vmem>>
      %dma_wait3A_243 = arith.constant 0 : i32
      %dma_wait3A_244 = arith.constant 0 : i32
      %dma_wait3A_245 = tpu.memref_slice %arg4[%mul3A_2, %dma_wait3A_243, %dma_wait3A_244] : memref<6400x128x128xf32, #tpu.memory_space<hbm>> -> memref<3x128x128xf32, #tpu.memory_space<hbm>>
      %dma_wait3A_246 = arith.constant 0 : i32
      %dma_wait3A_247 = arith.constant 0 : i32
      %dma_wait3A_248 = arith.constant 0 : i32
      %dma_wait3A_249 = tpu.memref_slice %arg7[%dma_wait3A_246, %dma_wait3A_247, %dma_wait3A_248] : memref<3x128x128xf32, #tpu.memory_space<vmem>> -> memref<3x128x128xf32, #tpu.memory_space<vmem>>
      %dma_wait3A_250 = arith.constant 0 : i32
      %dma_wait3A_251 = arith.constant 0 : i32
      %dma_wait3A_252 = tpu.memref_slice %arg4[%mul3A_2, %dma_wait3A_250, %dma_wait3A_251] : memref<6400x128x128xf32, #tpu.memory_space<hbm>> -> memref<3x128x128xf32, #tpu.memory_space<hbm>>
      tpu.wait_dma2 semaphore(%arg9 : memref<!tpu.dma_semaphore, #tpu.memory_space<semaphore_mem>>) src(%dma_wait3A_252 : memref<3x128x128xf32, #tpu.memory_space<hbm>>) dst(%dma_wait3A_249 : memref<3x128x128xf32, #tpu.memory_space<vmem>>)
      %mul3A_253 = arith.constant 3 : i32
      %mul3A_254 = arith.muli %mul3A_238, %mul3A_253 : i32
      %add3A_255 = arith.addi %mul3A_2, %mul3A_254 : i32
      %dma_start3A_256 = arith.constant 0 : i32
      %dma_start3A_257 = arith.constant 0 : i32
      %dma_start3A_258 = arith.constant 0 : i32
      %dma_start3A_259 = tpu.memref_slice %arg7[%dma_start3A_256, %dma_start3A_257, %dma_start3A_258] : memref<3x128x128xf32, #tpu.memory_space<vmem>> -> memref<3x128x128xf32, #tpu.memory_space<vmem>>
      %dma_start3A_260 = arith.constant 0 : i32
      %dma_start3A_261 = arith.constant 0 : i32
      %dma_start3A_262 = tpu.memref_slice %arg4[%add3A_255, %dma_start3A_260, %dma_start3A_261] : memref<6400x128x128xf32, #tpu.memory_space<hbm>> -> memref<3x128x128xf32, #tpu.memory_space<hbm>>
      %dma_start3A_263 = arith.constant 0 : i32
      %dma_start3A_264 = arith.constant 0 : i32
      %dma_start3A_265 = tpu.memref_slice %arg4[%add3A_255, %dma_start3A_263, %dma_start3A_264] : memref<6400x128x128xf32, #tpu.memory_space<hbm>> -> memref<3x128x128xf32, #tpu.memory_space<hbm>>
      %dma_start3A_266 = arith.constant 0 : i32
      %dma_start3A_267 = arith.constant 0 : i32
      %dma_start3A_268 = arith.constant 0 : i32
      %dma_start3A_269 = tpu.memref_slice %arg7[%dma_start3A_266, %dma_start3A_267, %dma_start3A_268] : memref<3x128x128xf32, #tpu.memory_space<vmem>> -> memref<3x128x128xf32, #tpu.memory_space<vmem>>
      tpu.enqueue_dma source(%dma_start3A_269 : memref<3x128x128xf32, #tpu.memory_space<vmem>>) target(%dma_start3A_265 : memref<3x128x128xf32, #tpu.memory_space<hbm>>) target_semaphore(%arg11 : memref<!tpu.dma_semaphore, #tpu.memory_space<semaphore_mem>>)
      %dma_wait3A_270 = arith.constant 0 : i32
      %dma_wait3A_271 = arith.constant 0 : i32
      %dma_wait3A_272 = arith.constant 0 : i32
      %dma_wait3A_273 = tpu.memref_slice %arg8[%dma_wait3A_270, %dma_wait3A_271, %dma_wait3A_272] : memref<3x128x128xf32, #tpu.memory_space<vmem>> -> memref<3x128x128xf32, #tpu.memory_space<vmem>>
      %dma_wait3A_274 = arith.constant 0 : i32
      %dma_wait3A_275 = arith.constant 0 : i32
      %dma_wait3A_276 = tpu.memref_slice %arg4[%mul3A_2, %dma_wait3A_274, %dma_wait3A_275] : memref<6400x128x128xf32, #tpu.memory_space<hbm>> -> memref<3x128x128xf32, #tpu.memory_space<hbm>>
      %dma_wait3A_277 = arith.constant 0 : i32
      %dma_wait3A_278 = arith.constant 0 : i32
      %dma_wait3A_279 = arith.constant 0 : i32
      %dma_wait3A_280 = tpu.memref_slice %arg8[%dma_wait3A_277, %dma_wait3A_278, %dma_wait3A_279] : memref<3x128x128xf32, #tpu.memory_space<vmem>> -> memref<3x128x128xf32, #tpu.memory_space<vmem>>
      %dma_wait3A_281 = arith.constant 0 : i32
      %dma_wait3A_282 = arith.constant 0 : i32
      %dma_wait3A_283 = tpu.memref_slice %arg4[%mul3A_2, %dma_wait3A_281, %dma_wait3A_282] : memref<6400x128x128xf32, #tpu.memory_space<hbm>> -> memref<3x128x128xf32, #tpu.memory_space<hbm>>
      tpu.wait_dma2 semaphore(%arg10 : memref<!tpu.dma_semaphore, #tpu.memory_space<semaphore_mem>>) src(%dma_wait3A_283 : memref<3x128x128xf32, #tpu.memory_space<hbm>>) dst(%dma_wait3A_280 : memref<3x128x128xf32, #tpu.memory_space<vmem>>)
      %add3A_284 = arith.constant 1 : i32
      %add3A_285 = arith.addi %mul3A_238, %add3A_284 : i32
      %mul3A_286 = arith.constant 3 : i32
      %mul3A_287 = arith.muli %add3A_285, %mul3A_286 : i32
      %add3A_288 = arith.addi %mul3A_2, %mul3A_287 : i32
      %dma_start3A_289 = arith.constant 0 : i32
      %dma_start3A_290 = arith.constant 0 : i32
      %dma_start3A_291 = arith.constant 0 : i32
      %dma_start3A_292 = tpu.memref_slice %arg8[%dma_start3A_289, %dma_start3A_290, %dma_start3A_291] : memref<3x128x128xf32, #tpu.memory_space<vmem>> -> memref<3x128x128xf32, #tpu.memory_space<vmem>>
      %dma_start3A_293 = arith.constant 0 : i32
      %dma_start3A_294 = arith.constant 0 : i32
      %dma_start3A_295 = tpu.memref_slice %arg4[%add3A_288, %dma_start3A_293, %dma_start3A_294] : memref<6400x128x128xf32, #tpu.memory_space<hbm>> -> memref<3x128x128xf32, #tpu.memory_space<hbm>>
      %dma_start3A_296 = arith.constant 0 : i32
      %dma_start3A_297 = arith.constant 0 : i32
      %dma_start3A_298 = tpu.memref_slice %arg4[%add3A_288, %dma_start3A_296, %dma_start3A_297] : memref<6400x128x128xf32, #tpu.memory_space<hbm>> -> memref<3x128x128xf32, #tpu.memory_space<hbm>>
      %dma_start3A_299 = arith.constant 0 : i32
      %dma_start3A_300 = arith.constant 0 : i32
      %dma_start3A_301 = arith.constant 0 : i32
      %dma_start3A_302 = tpu.memref_slice %arg8[%dma_start3A_299, %dma_start3A_300, %dma_start3A_301] : memref<3x128x128xf32, #tpu.memory_space<vmem>> -> memref<3x128x128xf32, #tpu.memory_space<vmem>>
      tpu.enqueue_dma source(%dma_start3A_302 : memref<3x128x128xf32, #tpu.memory_space<vmem>>) target(%dma_start3A_298 : memref<3x128x128xf32, #tpu.memory_space<hbm>>) target_semaphore(%arg12 : memref<!tpu.dma_semaphore, #tpu.memory_space<semaphore_mem>>)
      %dma_wait3A_303 = arith.constant 0 : i32
      %dma_wait3A_304 = arith.constant 0 : i32
      %dma_wait3A_305 = arith.constant 0 : i32
      %dma_wait3A_306 = tpu.memref_slice %arg7[%dma_wait3A_303, %dma_wait3A_304, %dma_wait3A_305] : memref<3x128x128xf32, #tpu.memory_space<vmem>> -> memref<3x128x128xf32, #tpu.memory_space<vmem>>
      %dma_wait3A_307 = arith.constant 0 : i32
      %dma_wait3A_308 = arith.constant 0 : i32
      %dma_wait3A_309 = tpu.memref_slice %arg4[%mul3A_2, %dma_wait3A_307, %dma_wait3A_308] : memref<6400x128x128xf32, #tpu.memory_space<hbm>> -> memref<3x128x128xf32, #tpu.memory_space<hbm>>
      %dma_wait3A_310 = arith.constant 0 : i32
      %dma_wait3A_311 = arith.constant 0 : i32
      %dma_wait3A_312 = tpu.memref_slice %arg4[%mul3A_2, %dma_wait3A_310, %dma_wait3A_311] : memref<6400x128x128xf32, #tpu.memory_space<hbm>> -> memref<3x128x128xf32, #tpu.memory_space<hbm>>
      %dma_wait3A_313 = arith.constant 0 : i32
      %dma_wait3A_314 = arith.constant 0 : i32
      %dma_wait3A_315 = arith.constant 0 : i32
      %dma_wait3A_316 = tpu.memref_slice %arg7[%dma_wait3A_313, %dma_wait3A_314, %dma_wait3A_315] : memref<3x128x128xf32, #tpu.memory_space<vmem>> -> memref<3x128x128xf32, #tpu.memory_space<vmem>>
      tpu.wait_dma2 semaphore(%arg11 : memref<!tpu.dma_semaphore, #tpu.memory_space<semaphore_mem>>) src(%dma_wait3A_316 : memref<3x128x128xf32, #tpu.memory_space<vmem>>) dst(%dma_wait3A_312 : memref<3x128x128xf32, #tpu.memory_space<hbm>>)
      %add3A_317 = arith.constant 2 : i32
      %add3A_318 = arith.addi %mul3A_238, %add3A_317 : i32
      %mul3A_319 = arith.constant 3 : i32
      %mul3A_320 = arith.muli %add3A_318, %mul3A_319 : i32
      %add3A_321 = arith.constant 0 : i32
      %add3A_322 = arith.addi %mul3A_320, %add3A_321 : i32
      %dma_start3A_323 = arith.constant 0 : i32
      %dma_start3A_324 = arith.constant 0 : i32
      %dma_start3A_325 = arith.constant 0 : i32
      %dma_start3A_326 = tpu.memref_slice %arg7[%dma_start3A_323, %dma_start3A_324, %dma_start3A_325] : memref<3x128x128xf32, #tpu.memory_space<vmem>> -> memref<1x128x128xf32, #tpu.memory_space<vmem>>
      %dma_start3A_327 = tpu.memref_squeeze %dma_start3A_326 : memref<1x128x128xf32, #tpu.memory_space<vmem>> -> memref<128x128xf32, #tpu.memory_space<vmem>>
      %dma_start3A_328 = arith.constant 0 : i32
      %dma_start3A_329 = tpu.memref_slice %arg5[%add3A_322, %dma_start3A_328] : memref<200x128xi32, #tpu.memory_space<vmem>> -> memref<1x128xi32, #tpu.memory_space<vmem>>
      %dma_start3A_330 = tpu.memref_squeeze %dma_start3A_329 : memref<1x128xi32, #tpu.memory_space<vmem>> -> memref<128xi32, #tpu.memory_space<vmem>>
      %dma_start3A_331 = arith.constant 0 : i32
      %dma_start3A_332 = arith.constant 0 : i32
      %dma_start3A_333 = tpu.memref_slice %arg6[%dma_start3A_331, %dma_start3A_332] : memref<32x128xf32, #tpu.memory_space<vmem_shared>> -> memref<32x128xf32, #tpu.memory_space<vmem_shared>>
      tpu.enqueue_indirect_dma source(%dma_start3A_333 : memref<32x128xf32, #tpu.memory_space<vmem_shared>>) target(%dma_start3A_327 : memref<128x128xf32, #tpu.memory_space<vmem>>) offsets(%dma_start3A_330 : memref<128xi32, #tpu.memory_space<vmem>>) semaphore(%arg9 : memref<!tpu.dma_semaphore, #tpu.memory_space<semaphore_mem>>)
      %add3A_334 = arith.constant 1 : i32
      %add3A_335 = arith.addi %mul3A_320, %add3A_334 : i32
      %dma_start3A_336 = arith.constant 1 : i32
      %dma_start3A_337 = arith.constant 0 : i32
      %dma_start3A_338 = arith.constant 0 : i32
      %dma_start3A_339 = tpu.memref_slice %arg7[%dma_start3A_336, %dma_start3A_337, %dma_start3A_338] : memref<3x128x128xf32, #tpu.memory_space<vmem>> -> memref<1x128x128xf32, #tpu.memory_space<vmem>>
      %dma_start3A_340 = tpu.memref_squeeze %dma_start3A_339 : memref<1x128x128xf32, #tpu.memory_space<vmem>> -> memref<128x128xf32, #tpu.memory_space<vmem>>
      %dma_start3A_341 = arith.constant 0 : i32
      %dma_start3A_342 = tpu.memref_slice %arg5[%add3A_335, %dma_start3A_341] : memref<200x128xi32, #tpu.memory_space<vmem>> -> memref<1x128xi32, #tpu.memory_space<vmem>>
      %dma_start3A_343 = tpu.memref_squeeze %dma_start3A_342 : memref<1x128xi32, #tpu.memory_space<vmem>> -> memref<128xi32, #tpu.memory_space<vmem>>
      %dma_start3A_344 = arith.constant 0 : i32
      %dma_start3A_345 = arith.constant 0 : i32
      %dma_start3A_346 = tpu.memref_slice %arg6[%dma_start3A_344, %dma_start3A_345] : memref<32x128xf32, #tpu.memory_space<vmem_shared>> -> memref<32x128xf32, #tpu.memory_space<vmem_shared>>
      tpu.enqueue_indirect_dma source(%dma_start3A_346 : memref<32x128xf32, #tpu.memory_space<vmem_shared>>) target(%dma_start3A_340 : memref<128x128xf32, #tpu.memory_space<vmem>>) offsets(%dma_start3A_343 : memref<128xi32, #tpu.memory_space<vmem>>) semaphore(%arg9 : memref<!tpu.dma_semaphore, #tpu.memory_space<semaphore_mem>>)
      %add3A_347 = arith.constant 2 : i32
      %add3A_348 = arith.addi %mul3A_320, %add3A_347 : i32
      %dma_start3A_349 = arith.constant 2 : i32
      %dma_start3A_350 = arith.constant 0 : i32
      %dma_start3A_351 = arith.constant 0 : i32
      %dma_start3A_352 = tpu.memref_slice %arg7[%dma_start3A_349, %dma_start3A_350, %dma_start3A_351] : memref<3x128x128xf32, #tpu.memory_space<vmem>> -> memref<1x128x128xf32, #tpu.memory_space<vmem>>
      %dma_start3A_353 = tpu.memref_squeeze %dma_start3A_352 : memref<1x128x128xf32, #tpu.memory_space<vmem>> -> memref<128x128xf32, #tpu.memory_space<vmem>>
      %dma_start3A_354 = arith.constant 0 : i32
      %dma_start3A_355 = tpu.memref_slice %arg5[%add3A_348, %dma_start3A_354] : memref<200x128xi32, #tpu.memory_space<vmem>> -> memref<1x128xi32, #tpu.memory_space<vmem>>
      %dma_start3A_356 = tpu.memref_squeeze %dma_start3A_355 : memref<1x128xi32, #tpu.memory_space<vmem>> -> memref<128xi32, #tpu.memory_space<vmem>>
      %dma_start3A_357 = arith.constant 0 : i32
      %dma_start3A_358 = arith.constant 0 : i32
      %dma_start3A_359 = tpu.memref_slice %arg6[%dma_start3A_357, %dma_start3A_358] : memref<32x128xf32, #tpu.memory_space<vmem_shared>> -> memref<32x128xf32, #tpu.memory_space<vmem_shared>>
      tpu.enqueue_indirect_dma source(%dma_start3A_359 : memref<32x128xf32, #tpu.memory_space<vmem_shared>>) target(%dma_start3A_353 : memref<128x128xf32, #tpu.memory_space<vmem>>) offsets(%dma_start3A_356 : memref<128xi32, #tpu.memory_space<vmem>>) semaphore(%arg9 : memref<!tpu.dma_semaphore, #tpu.memory_space<semaphore_mem>>)
      %dma_wait3A_360 = arith.constant 0 : i32
      %dma_wait3A_361 = arith.constant 0 : i32
      %dma_wait3A_362 = arith.constant 0 : i32
      %dma_wait3A_363 = tpu.memref_slice %arg8[%dma_wait3A_360, %dma_wait3A_361, %dma_wait3A_362] : memref<3x128x128xf32, #tpu.memory_space<vmem>> -> memref<3x128x128xf32, #tpu.memory_space<vmem>>
      %dma_wait3A_364 = arith.constant 0 : i32
      %dma_wait3A_365 = arith.constant 0 : i32
      %dma_wait3A_366 = tpu.memref_slice %arg4[%mul3A_2, %dma_wait3A_364, %dma_wait3A_365] : memref<6400x128x128xf32, #tpu.memory_space<hbm>> -> memref<3x128x128xf32, #tpu.memory_space<hbm>>
      %dma_wait3A_367 = arith.constant 0 : i32
      %dma_wait3A_368 = arith.constant 0 : i32
      %dma_wait3A_369 = tpu.memref_slice %arg4[%mul3A_2, %dma_wait3A_367, %dma_wait3A_368] : memref<6400x128x128xf32, #tpu.memory_space<hbm>> -> memref<3x128x128xf32, #tpu.memory_space<hbm>>
      %dma_wait3A_370 = arith.constant 0 : i32
      %dma_wait3A_371 = arith.constant 0 : i32
      %dma_wait3A_372 = arith.constant 0 : i32
      %dma_wait3A_373 = tpu.memref_slice %arg8[%dma_wait3A_370, %dma_wait3A_371, %dma_wait3A_372] : memref<3x128x128xf32, #tpu.memory_space<vmem>> -> memref<3x128x128xf32, #tpu.memory_space<vmem>>
      tpu.wait_dma2 semaphore(%arg12 : memref<!tpu.dma_semaphore, #tpu.memory_space<semaphore_mem>>) src(%dma_wait3A_373 : memref<3x128x128xf32, #tpu.memory_space<vmem>>) dst(%dma_wait3A_369 : memref<3x128x128xf32, #tpu.memory_space<hbm>>)
      %add3A_374 = arith.constant 3 : i32
      %add3A_375 = arith.addi %mul3A_238, %add3A_374 : i32
      %mul3A_376 = arith.constant 3 : i32
      %mul3A_377 = arith.muli %add3A_375, %mul3A_376 : i32
      %add3A_378 = arith.constant 0 : i32
      %add3A_379 = arith.addi %mul3A_377, %add3A_378 : i32
      %dma_start3A_380 = arith.constant 0 : i32
      %dma_start3A_381 = arith.constant 0 : i32
      %dma_start3A_382 = arith.constant 0 : i32
      %dma_start3A_383 = tpu.memref_slice %arg8[%dma_start3A_380, %dma_start3A_381, %dma_start3A_382] : memref<3x128x128xf32, #tpu.memory_space<vmem>> -> memref<1x128x128xf32, #tpu.memory_space<vmem>>
      %dma_start3A_384 = tpu.memref_squeeze %dma_start3A_383 : memref<1x128x128xf32, #tpu.memory_space<vmem>> -> memref<128x128xf32, #tpu.memory_space<vmem>>
      %dma_start3A_385 = arith.constant 0 : i32
      %dma_start3A_386 = tpu.memref_slice %arg5[%add3A_379, %dma_start3A_385] : memref<200x128xi32, #tpu.memory_space<vmem>> -> memref<1x128xi32, #tpu.memory_space<vmem>>
      %dma_start3A_387 = tpu.memref_squeeze %dma_start3A_386 : memref<1x128xi32, #tpu.memory_space<vmem>> -> memref<128xi32, #tpu.memory_space<vmem>>
      %dma_start3A_388 = arith.constant 0 : i32
      %dma_start3A_389 = arith.constant 0 : i32
      %dma_start3A_390 = tpu.memref_slice %arg6[%dma_start3A_388, %dma_start3A_389] : memref<32x128xf32, #tpu.memory_space<vmem_shared>> -> memref<32x128xf32, #tpu.memory_space<vmem_shared>>
      tpu.enqueue_indirect_dma source(%dma_start3A_390 : memref<32x128xf32, #tpu.memory_space<vmem_shared>>) target(%dma_start3A_384 : memref<128x128xf32, #tpu.memory_space<vmem>>) offsets(%dma_start3A_387 : memref<128xi32, #tpu.memory_space<vmem>>) semaphore(%arg10 : memref<!tpu.dma_semaphore, #tpu.memory_space<semaphore_mem>>)
      %add3A_391 = arith.constant 1 : i32
      %add3A_392 = arith.addi %mul3A_377, %add3A_391 : i32
      %dma_start3A_393 = arith.constant 1 : i32
      %dma_start3A_394 = arith.constant 0 : i32
      %dma_start3A_395 = arith.constant 0 : i32
      %dma_start3A_396 = tpu.memref_slice %arg8[%dma_start3A_393, %dma_start3A_394, %dma_start3A_395] : memref<3x128x128xf32, #tpu.memory_space<vmem>> -> memref<1x128x128xf32, #tpu.memory_space<vmem>>
      %dma_start3A_397 = tpu.memref_squeeze %dma_start3A_396 : memref<1x128x128xf32, #tpu.memory_space<vmem>> -> memref<128x128xf32, #tpu.memory_space<vmem>>
      %dma_start3A_398 = arith.constant 0 : i32
      %dma_start3A_399 = tpu.memref_slice %arg5[%add3A_392, %dma_start3A_398] : memref<200x128xi32, #tpu.memory_space<vmem>> -> memref<1x128xi32, #tpu.memory_space<vmem>>
      %dma_start3A_400 = tpu.memref_squeeze %dma_start3A_399 : memref<1x128xi32, #tpu.memory_space<vmem>> -> memref<128xi32, #tpu.memory_space<vmem>>
      %dma_start3A_401 = arith.constant 0 : i32
      %dma_start3A_402 = arith.constant 0 : i32
      %dma_start3A_403 = tpu.memref_slice %arg6[%dma_start3A_401, %dma_start3A_402] : memref<32x128xf32, #tpu.memory_space<vmem_shared>> -> memref<32x128xf32, #tpu.memory_space<vmem_shared>>
      tpu.enqueue_indirect_dma source(%dma_start3A_403 : memref<32x128xf32, #tpu.memory_space<vmem_shared>>) target(%dma_start3A_397 : memref<128x128xf32, #tpu.memory_space<vmem>>) offsets(%dma_start3A_400 : memref<128xi32, #tpu.memory_space<vmem>>) semaphore(%arg10 : memref<!tpu.dma_semaphore, #tpu.memory_space<semaphore_mem>>)
      %add3A_404 = arith.constant 2 : i32
      %add3A_405 = arith.addi %mul3A_377, %add3A_404 : i32
      %dma_start3A_406 = arith.constant 2 : i32
      %dma_start3A_407 = arith.constant 0 : i32
      %dma_start3A_408 = arith.constant 0 : i32
      %dma_start3A_409 = tpu.memref_slice %arg8[%dma_start3A_406, %dma_start3A_407, %dma_start3A_408] : memref<3x128x128xf32, #tpu.memory_space<vmem>> -> memref<1x128x128xf32, #tpu.memory_space<vmem>>
      %dma_start3A_410 = tpu.memref_squeeze %dma_start3A_409 : memref<1x128x128xf32, #tpu.memory_space<vmem>> -> memref<128x128xf32, #tpu.memory_space<vmem>>
      %dma_start3A_411 = arith.constant 0 : i32
      %dma_start3A_412 = tpu.memref_slice %arg5[%add3A_405, %dma_start3A_411] : memref<200x128xi32, #tpu.memory_space<vmem>> -> memref<1x128xi32, #tpu.memory_space<vmem>>
      %dma_start3A_413 = tpu.memref_squeeze %dma_start3A_412 : memref<1x128xi32, #tpu.memory_space<vmem>> -> memref<128xi32, #tpu.memory_space<vmem>>
      %dma_start3A_414 = arith.constant 0 : i32
      %dma_start3A_415 = arith.constant 0 : i32
      %dma_start3A_416 = tpu.memref_slice %arg6[%dma_start3A_414, %dma_start3A_415] : memref<32x128xf32, #tpu.memory_space<vmem_shared>> -> memref<32x128xf32, #tpu.memory_space<vmem_shared>>
      tpu.enqueue_indirect_dma source(%dma_start3A_416 : memref<32x128xf32, #tpu.memory_space<vmem_shared>>) target(%dma_start3A_410 : memref<128x128xf32, #tpu.memory_space<vmem>>) offsets(%dma_start3A_413 : memref<128xi32, #tpu.memory_space<vmem>>) semaphore(%arg10 : memref<!tpu.dma_semaphore, #tpu.memory_space<semaphore_mem>>)
    }
    %scan3A_80 = arith.constant 32 : i32
    %dma_wait3A = arith.constant 0 : i32
    %dma_wait3A_81 = arith.constant 0 : i32
    %dma_wait3A_82 = arith.constant 0 : i32
    %dma_wait3A_83 = tpu.memref_slice %arg7[%dma_wait3A, %dma_wait3A_81, %dma_wait3A_82] : memref<3x128x128xf32, #tpu.memory_space<vmem>> -> memref<3x128x128xf32, #tpu.memory_space<vmem>>
    %dma_wait3A_84 = arith.constant 0 : i32
    %dma_wait3A_85 = arith.constant 0 : i32
    %dma_wait3A_86 = tpu.memref_slice %arg4[%mul3A_2, %dma_wait3A_84, %dma_wait3A_85] : memref<6400x128x128xf32, #tpu.memory_space<hbm>> -> memref<3x128x128xf32, #tpu.memory_space<hbm>>
    %dma_wait3A_87 = arith.constant 0 : i32
    %dma_wait3A_88 = arith.constant 0 : i32
    %dma_wait3A_89 = arith.constant 0 : i32
    %dma_wait3A_90 = tpu.memref_slice %arg7[%dma_wait3A_87, %dma_wait3A_88, %dma_wait3A_89] : memref<3x128x128xf32, #tpu.memory_space<vmem>> -> memref<3x128x128xf32, #tpu.memory_space<vmem>>
    %dma_wait3A_91 = arith.constant 0 : i32
    %dma_wait3A_92 = arith.constant 0 : i32
    %dma_wait3A_93 = tpu.memref_slice %arg4[%mul3A_2, %dma_wait3A_91, %dma_wait3A_92] : memref<6400x128x128xf32, #tpu.memory_space<hbm>> -> memref<3x128x128xf32, #tpu.memory_space<hbm>>
    tpu.wait_dma2 semaphore(%arg9 : memref<!tpu.dma_semaphore, #tpu.memory_space<semaphore_mem>>) src(%dma_wait3A_93 : memref<3x128x128xf32, #tpu.memory_space<hbm>>) dst(%dma_wait3A_90 : memref<3x128x128xf32, #tpu.memory_space<vmem>>)
    %add3A_94 = arith.constant 192 : i32
    %add3A_95 = arith.addi %mul3A_2, %add3A_94 : i32
    %dma_start3A_96 = arith.constant 0 : i32
    %dma_start3A_97 = arith.constant 0 : i32
    %dma_start3A_98 = arith.constant 0 : i32
    %dma_start3A_99 = tpu.memref_slice %arg7[%dma_start3A_96, %dma_start3A_97, %dma_start3A_98] : memref<3x128x128xf32, #tpu.memory_space<vmem>> -> memref<3x128x128xf32, #tpu.memory_space<vmem>>
    %dma_start3A_100 = arith.constant 0 : i32
    %dma_start3A_101 = arith.constant 0 : i32
    %dma_start3A_102 = tpu.memref_slice %arg4[%add3A_95, %dma_start3A_100, %dma_start3A_101] : memref<6400x128x128xf32, #tpu.memory_space<hbm>> -> memref<3x128x128xf32, #tpu.memory_space<hbm>>
    %dma_start3A_103 = arith.constant 0 : i32
    %dma_start3A_104 = arith.constant 0 : i32
    %dma_start3A_105 = tpu.memref_slice %arg4[%add3A_95, %dma_start3A_103, %dma_start3A_104] : memref<6400x128x128xf32, #tpu.memory_space<hbm>> -> memref<3x128x128xf32, #tpu.memory_space<hbm>>
    %dma_start3A_106 = arith.constant 0 : i32
    %dma_start3A_107 = arith.constant 0 : i32
    %dma_start3A_108 = arith.constant 0 : i32
    %dma_start3A_109 = tpu.memref_slice %arg7[%dma_start3A_106, %dma_start3A_107, %dma_start3A_108] : memref<3x128x128xf32, #tpu.memory_space<vmem>> -> memref<3x128x128xf32, #tpu.memory_space<vmem>>
    tpu.enqueue_dma source(%dma_start3A_109 : memref<3x128x128xf32, #tpu.memory_space<vmem>>) target(%dma_start3A_105 : memref<3x128x128xf32, #tpu.memory_space<hbm>>) target_semaphore(%arg11 : memref<!tpu.dma_semaphore, #tpu.memory_space<semaphore_mem>>)
    %dma_wait3A_110 = arith.constant 0 : i32
    %dma_wait3A_111 = arith.constant 0 : i32
    %dma_wait3A_112 = arith.constant 0 : i32
    %dma_wait3A_113 = tpu.memref_slice %arg8[%dma_wait3A_110, %dma_wait3A_111, %dma_wait3A_112] : memref<3x128x128xf32, #tpu.memory_space<vmem>> -> memref<3x128x128xf32, #tpu.memory_space<vmem>>
    %dma_wait3A_114 = arith.constant 0 : i32
    %dma_wait3A_115 = arith.constant 0 : i32
    %dma_wait3A_116 = tpu.memref_slice %arg4[%mul3A_2, %dma_wait3A_114, %dma_wait3A_115] : memref<6400x128x128xf32, #tpu.memory_space<hbm>> -> memref<3x128x128xf32, #tpu.memory_space<hbm>>
    %dma_wait3A_117 = arith.constant 0 : i32
    %dma_wait3A_118 = arith.constant 0 : i32
    %dma_wait3A_119 = arith.constant 0 : i32
    %dma_wait3A_120 = tpu.memref_slice %arg8[%dma_wait3A_117, %dma_wait3A_118, %dma_wait3A_119] : memref<3x128x128xf32, #tpu.memory_space<vmem>> -> memref<3x128x128xf32, #tpu.memory_space<vmem>>
    %dma_wait3A_121 = arith.constant 0 : i32
    %dma_wait3A_122 = arith.constant 0 : i32
    %dma_wait3A_123 = tpu.memref_slice %arg4[%mul3A_2, %dma_wait3A_121, %dma_wait3A_122] : memref<6400x128x128xf32, #tpu.memory_space<hbm>> -> memref<3x128x128xf32, #tpu.memory_space<hbm>>
    tpu.wait_dma2 semaphore(%arg10 : memref<!tpu.dma_semaphore, #tpu.memory_space<semaphore_mem>>) src(%dma_wait3A_123 : memref<3x128x128xf32, #tpu.memory_space<hbm>>) dst(%dma_wait3A_120 : memref<3x128x128xf32, #tpu.memory_space<vmem>>)
    %add3A_124 = arith.constant 195 : i32
    %add3A_125 = arith.addi %mul3A_2, %add3A_124 : i32
    %dma_start3A_126 = arith.constant 0 : i32
    %dma_start3A_127 = arith.constant 0 : i32
    %dma_start3A_128 = arith.constant 0 : i32
    %dma_start3A_129 = tpu.memref_slice %arg8[%dma_start3A_126, %dma_start3A_127, %dma_start3A_128] : memref<3x128x128xf32, #tpu.memory_space<vmem>> -> memref<3x128x128xf32, #tpu.memory_space<vmem>>
    %dma_start3A_130 = arith.constant 0 : i32
    %dma_start3A_131 = arith.constant 0 : i32
    %dma_start3A_132 = tpu.memref_slice %arg4[%add3A_125, %dma_start3A_130, %dma_start3A_131] : memref<6400x128x128xf32, #tpu.memory_space<hbm>> -> memref<3x128x128xf32, #tpu.memory_space<hbm>>
    %dma_start3A_133 = arith.constant 0 : i32
    %dma_start3A_134 = arith.constant 0 : i32
    %dma_start3A_135 = tpu.memref_slice %arg4[%add3A_125, %dma_start3A_133, %dma_start3A_134] : memref<6400x128x128xf32, #tpu.memory_space<hbm>> -> memref<3x128x128xf32, #tpu.memory_space<hbm>>
    %dma_start3A_136 = arith.constant 0 : i32
    %dma_start3A_137 = arith.constant 0 : i32
    %dma_start3A_138 = arith.constant 0 : i32
    %dma_start3A_139 = tpu.memref_slice %arg8[%dma_start3A_136, %dma_start3A_137, %dma_start3A_138] : memref<3x128x128xf32, #tpu.memory_space<vmem>> -> memref<3x128x128xf32, #tpu.memory_space<vmem>>
    tpu.enqueue_dma source(%dma_start3A_139 : memref<3x128x128xf32, #tpu.memory_space<vmem>>) target(%dma_start3A_135 : memref<3x128x128xf32, #tpu.memory_space<hbm>>) target_semaphore(%arg12 : memref<!tpu.dma_semaphore, #tpu.memory_space<semaphore_mem>>)
    %dma_wait3A_140 = arith.constant 0 : i32
    %dma_wait3A_141 = arith.constant 0 : i32
    %dma_wait3A_142 = arith.constant 0 : i32
    %dma_wait3A_143 = tpu.memref_slice %arg7[%dma_wait3A_140, %dma_wait3A_141, %dma_wait3A_142] : memref<3x128x128xf32, #tpu.memory_space<vmem>> -> memref<3x128x128xf32, #tpu.memory_space<vmem>>
    %dma_wait3A_144 = arith.constant 0 : i32
    %dma_wait3A_145 = arith.constant 0 : i32
    %dma_wait3A_146 = tpu.memref_slice %arg4[%mul3A_2, %dma_wait3A_144, %dma_wait3A_145] : memref<6400x128x128xf32, #tpu.memory_space<hbm>> -> memref<3x128x128xf32, #tpu.memory_space<hbm>>
    %dma_wait3A_147 = arith.constant 0 : i32
    %dma_wait3A_148 = arith.constant 0 : i32
    %dma_wait3A_149 = tpu.memref_slice %arg4[%mul3A_2, %dma_wait3A_147, %dma_wait3A_148] : memref<6400x128x128xf32, #tpu.memory_space<hbm>> -> memref<3x128x128xf32, #tpu.memory_space<hbm>>
    %dma_wait3A_150 = arith.constant 0 : i32
    %dma_wait3A_151 = arith.constant 0 : i32
    %dma_wait3A_152 = arith.constant 0 : i32
    %dma_wait3A_153 = tpu.memref_slice %arg7[%dma_wait3A_150, %dma_wait3A_151, %dma_wait3A_152] : memref<3x128x128xf32, #tpu.memory_space<vmem>> -> memref<3x128x128xf32, #tpu.memory_space<vmem>>
    tpu.wait_dma2 semaphore(%arg11 : memref<!tpu.dma_semaphore, #tpu.memory_space<semaphore_mem>>) src(%dma_wait3A_153 : memref<3x128x128xf32, #tpu.memory_space<vmem>>) dst(%dma_wait3A_149 : memref<3x128x128xf32, #tpu.memory_space<hbm>>)
    %dma_start3A_154 = arith.constant 198 : i32
    %dma_start3A_155 = arith.constant 0 : i32
    %dma_start3A_156 = arith.constant 0 : i32
    %dma_start3A_157 = arith.constant 0 : i32
    %dma_start3A_158 = tpu.memref_slice %arg7[%dma_start3A_155, %dma_start3A_156, %dma_start3A_157] : memref<3x128x128xf32, #tpu.memory_space<vmem>> -> memref<1x128x128xf32, #tpu.memory_space<vmem>>
    %dma_start3A_159 = tpu.memref_squeeze %dma_start3A_158 : memref<1x128x128xf32, #tpu.memory_space<vmem>> -> memref<128x128xf32, #tpu.memory_space<vmem>>
    %dma_start3A_160 = arith.constant 0 : i32
    %dma_start3A_161 = tpu.memref_slice %arg5[%dma_start3A_154, %dma_start3A_160] : memref<200x128xi32, #tpu.memory_space<vmem>> -> memref<1x128xi32, #tpu.memory_space<vmem>>
    %dma_start3A_162 = tpu.memref_squeeze %dma_start3A_161 : memref<1x128xi32, #tpu.memory_space<vmem>> -> memref<128xi32, #tpu.memory_space<vmem>>
    %dma_start3A_163 = arith.constant 0 : i32
    %dma_start3A_164 = arith.constant 0 : i32
    %dma_start3A_165 = tpu.memref_slice %arg6[%dma_start3A_163, %dma_start3A_164] : memref<32x128xf32, #tpu.memory_space<vmem_shared>> -> memref<32x128xf32, #tpu.memory_space<vmem_shared>>
    tpu.enqueue_indirect_dma source(%dma_start3A_165 : memref<32x128xf32, #tpu.memory_space<vmem_shared>>) target(%dma_start3A_159 : memref<128x128xf32, #tpu.memory_space<vmem>>) offsets(%dma_start3A_162 : memref<128xi32, #tpu.memory_space<vmem>>) semaphore(%arg9 : memref<!tpu.dma_semaphore, #tpu.memory_space<semaphore_mem>>)
    %dma_start3A_166 = arith.constant 199 : i32
    %dma_start3A_167 = arith.constant 1 : i32
    %dma_start3A_168 = arith.constant 0 : i32
    %dma_start3A_169 = arith.constant 0 : i32
    %dma_start3A_170 = tpu.memref_slice %arg7[%dma_start3A_167, %dma_start3A_168, %dma_start3A_169] : memref<3x128x128xf32, #tpu.memory_space<vmem>> -> memref<1x128x128xf32, #tpu.memory_space<vmem>>
    %dma_start3A_171 = tpu.memref_squeeze %dma_start3A_170 : memref<1x128x128xf32, #tpu.memory_space<vmem>> -> memref<128x128xf32, #tpu.memory_space<vmem>>
    %dma_start3A_172 = arith.constant 0 : i32
    %dma_start3A_173 = tpu.memref_slice %arg5[%dma_start3A_166, %dma_start3A_172] : memref<200x128xi32, #tpu.memory_space<vmem>> -> memref<1x128xi32, #tpu.memory_space<vmem>>
    %dma_start3A_174 = tpu.memref_squeeze %dma_start3A_173 : memref<1x128xi32, #tpu.memory_space<vmem>> -> memref<128xi32, #tpu.memory_space<vmem>>
    %dma_start3A_175 = arith.constant 0 : i32
    %dma_start3A_176 = arith.constant 0 : i32
    %dma_start3A_177 = tpu.memref_slice %arg6[%dma_start3A_175, %dma_start3A_176] : memref<32x128xf32, #tpu.memory_space<vmem_shared>> -> memref<32x128xf32, #tpu.memory_space<vmem_shared>>
    tpu.enqueue_indirect_dma source(%dma_start3A_177 : memref<32x128xf32, #tpu.memory_space<vmem_shared>>) target(%dma_start3A_171 : memref<128x128xf32, #tpu.memory_space<vmem>>) offsets(%dma_start3A_174 : memref<128xi32, #tpu.memory_space<vmem>>) semaphore(%arg9 : memref<!tpu.dma_semaphore, #tpu.memory_space<semaphore_mem>>)
    %dma_wait3A_178 = arith.constant 0 : i32
    %dma_wait3A_179 = arith.constant 0 : i32
    %dma_wait3A_180 = arith.constant 0 : i32
    %dma_wait3A_181 = tpu.memref_slice %arg7[%dma_wait3A_178, %dma_wait3A_179, %dma_wait3A_180] : memref<3x128x128xf32, #tpu.memory_space<vmem>> -> memref<2x128x128xf32, #tpu.memory_space<vmem>>
    %dma_wait3A_182 = arith.constant 0 : i32
    %dma_wait3A_183 = arith.constant 0 : i32
    %dma_wait3A_184 = tpu.memref_slice %arg4[%mul3A_2, %dma_wait3A_182, %dma_wait3A_183] : memref<6400x128x128xf32, #tpu.memory_space<hbm>> -> memref<2x128x128xf32, #tpu.memory_space<hbm>>
    %dma_wait3A_185 = arith.constant 0 : i32
    %dma_wait3A_186 = arith.constant 0 : i32
    %dma_wait3A_187 = arith.constant 0 : i32
    %dma_wait3A_188 = tpu.memref_slice %arg7[%dma_wait3A_185, %dma_wait3A_186, %dma_wait3A_187] : memref<3x128x128xf32, #tpu.memory_space<vmem>> -> memref<2x128x128xf32, #tpu.memory_space<vmem>>
    %dma_wait3A_189 = arith.constant 0 : i32
    %dma_wait3A_190 = arith.constant 0 : i32
    %dma_wait3A_191 = tpu.memref_slice %arg4[%mul3A_2, %dma_wait3A_189, %dma_wait3A_190] : memref<6400x128x128xf32, #tpu.memory_space<hbm>> -> memref<2x128x128xf32, #tpu.memory_space<hbm>>
    tpu.wait_dma2 semaphore(%arg9 : memref<!tpu.dma_semaphore, #tpu.memory_space<semaphore_mem>>) src(%dma_wait3A_191 : memref<2x128x128xf32, #tpu.memory_space<hbm>>) dst(%dma_wait3A_188 : memref<2x128x128xf32, #tpu.memory_space<vmem>>)
    %add3A_192 = arith.constant 198 : i32
    %add3A_193 = arith.addi %mul3A_2, %add3A_192 : i32
    %dma_start3A_194 = arith.constant 0 : i32
    %dma_start3A_195 = arith.constant 0 : i32
    %dma_start3A_196 = arith.constant 0 : i32
    %dma_start3A_197 = tpu.memref_slice %arg7[%dma_start3A_194, %dma_start3A_195, %dma_start3A_196] : memref<3x128x128xf32, #tpu.memory_space<vmem>> -> memref<2x128x128xf32, #tpu.memory_space<vmem>>
    %dma_start3A_198 = arith.constant 0 : i32
    %dma_start3A_199 = arith.constant 0 : i32
    %dma_start3A_200 = tpu.memref_slice %arg4[%add3A_193, %dma_start3A_198, %dma_start3A_199] : memref<6400x128x128xf32, #tpu.memory_space<hbm>> -> memref<2x128x128xf32, #tpu.memory_space<hbm>>
    %dma_start3A_201 = arith.constant 0 : i32
    %dma_start3A_202 = arith.constant 0 : i32
    %dma_start3A_203 = tpu.memref_slice %arg4[%add3A_193, %dma_start3A_201, %dma_start3A_202] : memref<6400x128x128xf32, #tpu.memory_space<hbm>> -> memref<2x128x128xf32, #tpu.memory_space<hbm>>
    %dma_start3A_204 = arith.constant 0 : i32
    %dma_start3A_205 = arith.constant 0 : i32
    %dma_start3A_206 = arith.constant 0 : i32
    %dma_start3A_207 = tpu.memref_slice %arg7[%dma_start3A_204, %dma_start3A_205, %dma_start3A_206] : memref<3x128x128xf32, #tpu.memory_space<vmem>> -> memref<2x128x128xf32, #tpu.memory_space<vmem>>
    tpu.enqueue_dma source(%dma_start3A_207 : memref<2x128x128xf32, #tpu.memory_space<vmem>>) target(%dma_start3A_203 : memref<2x128x128xf32, #tpu.memory_space<hbm>>) target_semaphore(%arg11 : memref<!tpu.dma_semaphore, #tpu.memory_space<semaphore_mem>>)
    %dma_wait3A_208 = arith.constant 0 : i32
    %dma_wait3A_209 = arith.constant 0 : i32
    %dma_wait3A_210 = arith.constant 0 : i32
    %dma_wait3A_211 = tpu.memref_slice %arg7[%dma_wait3A_208, %dma_wait3A_209, %dma_wait3A_210] : memref<3x128x128xf32, #tpu.memory_space<vmem>> -> memref<2x128x128xf32, #tpu.memory_space<vmem>>
    %dma_wait3A_212 = arith.constant 0 : i32
    %dma_wait3A_213 = arith.constant 0 : i32
    %dma_wait3A_214 = tpu.memref_slice %arg4[%mul3A_2, %dma_wait3A_212, %dma_wait3A_213] : memref<6400x128x128xf32, #tpu.memory_space<hbm>> -> memref<2x128x128xf32, #tpu.memory_space<hbm>>
    %dma_wait3A_215 = arith.constant 0 : i32
    %dma_wait3A_216 = arith.constant 0 : i32
    %dma_wait3A_217 = tpu.memref_slice %arg4[%mul3A_2, %dma_wait3A_215, %dma_wait3A_216] : memref<6400x128x128xf32, #tpu.memory_space<hbm>> -> memref<2x128x128xf32, #tpu.memory_space<hbm>>
    %dma_wait3A_218 = arith.constant 0 : i32
    %dma_wait3A_219 = arith.constant 0 : i32
    %dma_wait3A_220 = arith.constant 0 : i32
    %dma_wait3A_221 = tpu.memref_slice %arg7[%dma_wait3A_218, %dma_wait3A_219, %dma_wait3A_220] : memref<3x128x128xf32, #tpu.memory_space<vmem>> -> memref<2x128x128xf32, #tpu.memory_space<vmem>>
    tpu.wait_dma2 semaphore(%arg11 : memref<!tpu.dma_semaphore, #tpu.memory_space<semaphore_mem>>) src(%dma_wait3A_221 : memref<2x128x128xf32, #tpu.memory_space<vmem>>) dst(%dma_wait3A_217 : memref<2x128x128xf32, #tpu.memory_space<hbm>>)
    %dma_wait3A_222 = arith.constant 0 : i32
    %dma_wait3A_223 = arith.constant 0 : i32
    %dma_wait3A_224 = arith.constant 0 : i32
    %dma_wait3A_225 = tpu.memref_slice %arg8[%dma_wait3A_222, %dma_wait3A_223, %dma_wait3A_224] : memref<3x128x128xf32, #tpu.memory_space<vmem>> -> memref<3x128x128xf32, #tpu.memory_space<vmem>>
    %dma_wait3A_226 = arith.constant 0 : i32
    %dma_wait3A_227 = arith.constant 0 : i32
    %dma_wait3A_228 = tpu.memref_slice %arg4[%mul3A_2, %dma_wait3A_226, %dma_wait3A_227] : memref<6400x128x128xf32, #tpu.memory_space<hbm>> -> memref<3x128x128xf32, #tpu.memory_space<hbm>>
    %dma_wait3A_229 = arith.constant 0 : i32
    %dma_wait3A_230 = arith.constant 0 : i32
    %dma_wait3A_231 = tpu.memref_slice %arg4[%mul3A_2, %dma_wait3A_229, %dma_wait3A_230] : memref<6400x128x128xf32, #tpu.memory_space<hbm>> -> memref<3x128x128xf32, #tpu.memory_space<hbm>>
    %dma_wait3A_232 = arith.constant 0 : i32
    %dma_wait3A_233 = arith.constant 0 : i32
    %dma_wait3A_234 = arith.constant 0 : i32
    %dma_wait3A_235 = tpu.memref_slice %arg8[%dma_wait3A_232, %dma_wait3A_233, %dma_wait3A_234] : memref<3x128x128xf32, #tpu.memory_space<vmem>> -> memref<3x128x128xf32, #tpu.memory_space<vmem>>
    tpu.wait_dma2 semaphore(%arg12 : memref<!tpu.dma_semaphore, #tpu.memory_space<semaphore_mem>>) src(%dma_wait3A_235 : memref<3x128x128xf32, #tpu.memory_space<vmem>>) dst(%dma_wait3A_231 : memref<3x128x128xf32, #tpu.memory_space<hbm>>)
    return
  }
}

module attributes {stable_mosaic.version = 14 : i64} {
  func.func @_pooled_body(%arg0: i32, %arg1: memref<1x1x12800xi32, #tpu.memory_space<vmem>>, %arg2: memref<32x128xf32, #tpu.memory_space<vmem>>, %arg3: memref<128x128xf32, #tpu.memory_space<vmem>>, %arg4: memref<1x128xf32, #tpu.memory_space<vmem>>, %arg5: memref<64x128xf32, #tpu.memory_space<vmem>>) attributes {dimension_semantics = [#tpu.dimension_semantics<arbitrary>], iteration_bounds = array<i64: 64>, scalar_prefetch = 0 : i64, scratch_operands = 0 : i64, tpu.core_type = #tpu.core_type<tc>, window_params = [{transform_indices = @transform_0, window_bounds = array<i64: 1, 1, 12800>}, {pipeline_mode = #tpu.pipeline_mode<synchronous>, transform_indices = @transform_1, window_bounds = array<i64: 32, 128>}, {pipeline_mode = #tpu.pipeline_mode<synchronous>, transform_indices = @transform_2, window_bounds = array<i64: 128, 128>}, {pipeline_mode = #tpu.pipeline_mode<synchronous>, transform_indices = @transform_3, window_bounds = array<i64: 1, 128>}, {transform_indices = @transform_4, window_bounds = array<i64: 64, 128>}]} {
    %get3A = arith.constant 0 : index
    %get3A_0 = arith.constant 0 : index
    %get3A_1 = arith.constant 0 : index
    %get3A_2 = vector.load %arg1[%get3A, %get3A_0, %get3A_1] : memref<1x1x12800xi32, #tpu.memory_space<vmem>>, vector<1x1x12800xi32>
    %get3A_3 = vector.shape_cast %get3A_2 : vector<1x1x12800xi32> to vector<1x12800xi32>
    %iota3A = tpu.iota {dimensions = array<i32: 0>} : vector<32x12800xi32>
    %eq3A = vector.broadcast %get3A_3 : vector<1x12800xi32> to vector<32x12800xi32>
    %eq3A_4 = arith.cmpi eq, %iota3A, %eq3A : vector<32x12800xi32>
    %convert_element_type3A = arith.extui %eq3A_4 : vector<32x12800xi1> to vector<32x12800xi32>
    %convert_element_type3A_5 = arith.sitofp %convert_element_type3A : vector<32x12800xi32> to vector<32x12800xf32>
    %iota3A_6 = tpu.iota {dimensions = array<i32: 0>} : vector<12800x64xi32>
    %iota3A_7 = tpu.iota {dimensions = array<i32: 1>} : vector<12800x64xi32>
    %jit3A = arith.constant 200 : i32
    %div3A = vector.broadcast %jit3A : i32 to vector<12800x64xi32>
    %div3A_8 = arith.divsi %iota3A_6, %div3A : vector<12800x64xi32>
    %sign3A = arith.constant 0 : i32
    %sign3A_9 = vector.broadcast %sign3A : i32 to vector<12800x64xi32>
    %sign3A_10 = arith.cmpi sgt, %iota3A_6, %sign3A_9 : vector<12800x64xi32>
    %sign3A_11 = arith.extui %sign3A_10 : vector<12800x64xi1> to vector<12800x64xi32>
    %sign3A_12 = arith.constant 0 : i32
    %sign3A_13 = vector.broadcast %sign3A_12 : i32 to vector<12800x64xi32>
    %sign3A_14 = arith.cmpi slt, %iota3A_6, %sign3A_13 : vector<12800x64xi32>
    %sign3A_15 = arith.extui %sign3A_14 : vector<12800x64xi1> to vector<12800x64xi32>
    %sign3A_16 = arith.subi %sign3A_11, %sign3A_15 : vector<12800x64xi32>
    %sign3A_17 = arith.constant 0 : i32
    %sign3A_18 = arith.cmpi sgt, %jit3A, %sign3A_17 : i32
    %sign3A_19 = arith.extui %sign3A_18 : i1 to i32
    %sign3A_20 = arith.constant 0 : i32
    %sign3A_21 = arith.cmpi slt, %jit3A, %sign3A_20 : i32
    %sign3A_22 = arith.extui %sign3A_21 : i1 to i32
    %sign3A_23 = arith.subi %sign3A_19, %sign3A_22 : i32
    %ne3A = vector.broadcast %sign3A_23 : i32 to vector<12800x64xi32>
    %ne3A_24 = arith.cmpi ne, %sign3A_16, %ne3A : vector<12800x64xi32>
    %rem3A = vector.broadcast %jit3A : i32 to vector<12800x64xi32>
    %rem3A_25 = arith.remsi %iota3A_6, %rem3A : vector<12800x64xi32>
    %ne3A_26 = arith.constant 0 : i32
    %ne3A_27 = vector.broadcast %ne3A_26 : i32 to vector<12800x64xi32>
    %ne3A_28 = arith.cmpi ne, %rem3A_25, %ne3A_27 : vector<12800x64xi32>
    %and3A = arith.andi %ne3A_24, %ne3A_28 : vector<12800x64xi1>
    %sub3A = arith.constant 1 : i32
    %sub3A_29 = vector.broadcast %sub3A : i32 to vector<12800x64xi32>
    %sub3A_30 = arith.subi %div3A_8, %sub3A_29 : vector<12800x64xi32>
    %select_n3A = arith.select %and3A, %sub3A_30, %div3A_8 : vector<12800x64xi1>, vector<12800x64xi32>
    %eq3A_31 = arith.cmpi eq, %select_n3A, %iota3A_7 : vector<12800x64xi32>
    %convert_element_type3A_32 = arith.extui %eq3A_31 : vector<12800x64xi1> to vector<12800x64xi32>
    %convert_element_type3A_33 = arith.sitofp %convert_element_type3A_32 : vector<12800x64xi32> to vector<12800x64xf32>
    %dot_general3A = arith.constant dense<0.000000e+00> : vector<32x64xf32>
    %dot_general3A_34 = tpu.matmul %convert_element_type3A_5, %convert_element_type3A_33, %dot_general3A {dimension_numbers = #tpu.dot_dimension_numbers<[1], [0], [0], [1], [0, 0, 1, 1], [], []>, transpose_lhs_hint = false} : vector<32x12800xf32>, vector<12800x64xf32>, vector<32x64xf32> -> vector<32x64xf32>
    %get3A_35 = arith.constant 0 : index
    %get3A_36 = arith.constant 0 : index
    %get3A_37 = vector.load %arg2[%get3A_35, %get3A_36] : memref<32x128xf32, #tpu.memory_space<vmem>>, vector<32x128xf32>
    %dot_general3A_38 = arith.constant dense<0.000000e+00> : vector<64x128xf32>
    %dot_general3A_39 = tpu.matmul %dot_general3A_34, %get3A_37, %dot_general3A_38 {dimension_numbers = #tpu.dot_dimension_numbers<[0], [0], [1], [1], [0, 1, 1, 1], [], []>, transpose_lhs_hint = false} : vector<32x64xf32>, vector<32x128xf32>, vector<64x128xf32> -> vector<64x128xf32>
    %mul3A = arith.constant 5.000000e-03 : f32
    %mul3A_40 = vector.broadcast %mul3A : f32 to vector<64x128xf32>
    %mul3A_41 = arith.mulf %dot_general3A_39, %mul3A_40 : vector<64x128xf32>
    %get3A_42 = arith.constant 0 : index
    %get3A_43 = arith.constant 0 : index
    %get3A_44 = vector.load %arg3[%get3A_42, %get3A_43] : memref<128x128xf32, #tpu.memory_space<vmem>>, vector<128x128xf32>
    %dot_general3A_45 = arith.constant dense<0.000000e+00> : vector<64x128xf32>
    %dot_general3A_46 = tpu.matmul %mul3A_41, %get3A_44, %dot_general3A_45 {dimension_numbers = #tpu.dot_dimension_numbers<[1], [1], [0], [0], [0, 0, 1, 0], [], []>, transpose_lhs_hint = false} : vector<64x128xf32>, vector<128x128xf32>, vector<64x128xf32> -> vector<64x128xf32>
    %get3A_47 = arith.constant 0 : index
    %get3A_48 = arith.constant 0 : index
    %get3A_49 = vector.load %arg4[%get3A_47, %get3A_48] : memref<1x128xf32, #tpu.memory_space<vmem>>, vector<1x128xf32>
    %add3A = vector.broadcast %get3A_49 : vector<1x128xf32> to vector<64x128xf32>
    %add3A_50 = arith.addf %dot_general3A_46, %add3A : vector<64x128xf32>
    %swap3A = arith.constant 0 : index
    %swap3A_51 = arith.constant 0 : index
    %swap3A_52 = vector.load %arg5[%swap3A, %swap3A_51] : memref<64x128xf32, #tpu.memory_space<vmem>>, vector<64x128xf32>
    tpu.vector_store %arg5[%swap3A, %swap3A_51], %add3A_50 {strides = array<i32>} : memref<64x128xf32, #tpu.memory_space<vmem>>, vector<64x128xf32>,
    return
  }
  func.func @transform_0(%arg0: i32) -> (i32, i32, i32) {
    %c0_i32 = arith.constant 0 : i32
    %c0_i32_0 = arith.constant 0 : i32
    %c0_i32_1 = arith.constant 0 : i32
    return %arg0, %c0_i32, %c0_i32_0 : i32, i32, i32
  }
  func.func @transform_1(%arg0: i32) -> (i32, i32) {
    %c0_i32 = arith.constant 0 : i32
    %c0_i32_0 = arith.constant 0 : i32
    %c0_i32_1 = arith.constant 0 : i32
    return %c0_i32, %c0_i32_0 : i32, i32
  }
  func.func @transform_2(%arg0: i32) -> (i32, i32) {
    %c0_i32 = arith.constant 0 : i32
    %c0_i32_0 = arith.constant 0 : i32
    %c0_i32_1 = arith.constant 0 : i32
    return %c0_i32, %c0_i32_0 : i32, i32
  }
  func.func @transform_3(%arg0: i32) -> (i32, i32) {
    %c0_i32 = arith.constant 0 : i32
    %c0_i32_0 = arith.constant 0 : i32
    %c0_i32_1 = arith.constant 0 : i32
    return %c0_i32, %c0_i32_0 : i32, i32
  }
  func.func @transform_4(%arg0: i32) -> (i32, i32) {
    %c0_i32 = arith.constant 0 : i32
    %c0_i32_0 = arith.constant 0 : i32
    return %arg0, %c0_i32 : i32, i32
  }
}

</mosaic_0001>

<sc_bundles>
// kernel: kernel.4.cloned.1.call-start
scs
__scs_entry_jumppad:
0x0: {  	(pc) =	sbr.rel $0x88, $3  }
0x1: {  	(tag) =	ssettag $0x0;
	lr =	simm.s32 $0x1  }
0x2: {  	[smem:$0x3F9D] =	sst lr;
	_ =	strace $0xD0000000  }
0x3: {  	_ = 	snop  }
0x4: {  	_ = 	snop  }
0x5: {  	_ = 	snop  }
0x6: {  	_ = 	snop  }
0x7: {  	_ = 	snop  }
__scs_overlays_trampoline_lowered:
0x8: {  	[smem:$0x3FAC] =	sst s0  }
0x9: {  	[smem:$0x3FAD] =	sst s1  }
0xa: {  	[smem:$0x3FAE] =	sst s2  }
0xb: {  	[smem:$0x3FAF] =	sst s3  }
0xc: {  	[smem:$0x3FB0] =	sst s4  }
0xd: {  	[smem:$0x3FB1] =	sst s5  }
0xe: {  	[smem:$0x3FB2] =	sst s6  }
0xf: {  	[smem:$0x3FB3] =	sst s7  }
0x10: {  	[smem:$0x3FB4] =	sst s8  }
0x11: {  	[smem:$0x3FB5] =	sst s9;
	s0 =	simm.s32 @!p0 $0x0  }
0x12: {  	s1 =	sld [smem:$0x3F9B];
	s0 =	simm.s32 @p0 $0x1  }
0x13: {  	[smem:$0x3FB6] =	sst s0;
	s0 =	simm.s32 @!p1 $0x0  }
0x14: {  	s2 =	sld [smem:$0x3F9A];
	s0 =	simm.s32 @p1 $0x1  }
0x15: {  	[smem:$0x3FB7] =	sst s0;
	s0 =	simm.s32 @!p2 $0x0  }
0x16: {  	s3 =	sld [smem:$0x3FDB];
	s0 =	simm.s32 @p2 $0x1  }
0x17: {  	s4 =	simm.s32 $0x1BF5;
	[smem:$0x3FB9] =	sst s0  }
0x18: {  	s0 =	sld [smem:$0x3F9C];
	_ =	swait.ge [sflag:s4], $0x0  }
0x19: {  	s7 =	sld [smem:$0x3F9D]  }
0x1a: {  	s8 =	sadd.s32 $0xFFFFE003, lr  }
0x1b: {  	s9 =	sadd.s32 $0xFFFFFEF7, lr;
	s5 =	simm.s32 $0xFFFFFFFF;
	p2 =	slt.u32 s8, $0xFFFFF086  }
0x1c: {  	p1 =	slt.u32 s9, $0xF7A;
	s5 =	simm.s32 @!p2 $0x0  }
0x1d: {  	s5 =	simm.s32 @p1 $0x1;
	p0 =	seq.s32 s7, s2  }
0x1e: {  	s7 =	smul.u32 @!p0 $0xF7A, s2;
	p2 =	seq.s32 @!p0 s5, $0x0  }
0x1f: {  	s9 =	smul.u32 $0xF7A, s1;
	s8 =	simm.s32 @!p0 $0x1BF5;
	p2 =	por !p2, p0  }
0x20: {  	[sflag:s8] =	ssyncset.s32 @!p0 $0xFFFFF086;
	s6 =	sadd.s32 @!p0 s3, s7;
	s7 =	simm.s32 @!p0 $0x108  }
0x21: {  	s3 =	sadd.s32 s3, s9;
	s6 =	sadd.s32 @!p0 $0x88, s6;
	s7 =	simm.s32 @p2 $0x1082  }
0x22: {  	[simem:s7], [sflag:s8] =	dma.local @!p0 [hbm:s6], $0xF7A  }
0x23: {  	s9 =	sor.u32 $0xD0000000, s2;
	s6 =	simm.s32 $0x108;
	_ =	swait.ge @!p0 [sflag:s8], $0x0  }
0x24: {  	s3 =	sadd.s32 $0x88, s3;
	s6 =	simm.s32 @!p1 $0x1082;
	[sflag:s4] =	ssyncset.s32 $0xFFFFF086  }
0x25: {  	[simem:s6], [sflag:s4] =	dma.local [hbm:s3], $0xF7A  }
0x26: {  	[smem:$0x3F9D] =	sst s1;
	(tag) =	ssettag s2;
	_ =	strace s9  }
0x27: {  	s1 =	sld [smem:$0x3FAD]  }
0x28: {  	s2 =	sld [smem:$0x3FAE]  }
0x29: {  	s4 =	sld [smem:$0x3FB0]  }
0x2a: {  	p0 =	seq.s32 s5, $0x0;
	s5 =	sld [smem:$0x3FB1]  }
0x2b: {  	s6 =	sld [smem:$0x3FB2]  }
0x2c: {  	s7 =	sld [smem:$0x3FB3]  }
0x2d: {  	s3 =	simm.s32 $0x108;
	s8 =	sld [smem:$0x3FB4]  }
0x2e: {  	s3 =	simm.s32 @!p0 $0x1082;
	s9 =	sld [smem:$0x3FB5]  }
0x2f: {  	lr =	sadd.s32 s0, s3;
	s0 =	sld [smem:$0x3FAC]  }
0x30: {  	s3 =	sld [smem:$0x3FAF]  }
0x31: {  	[smem:$0x3FB8] =	sst s10  }
0x32: {  	s10 =	sld [smem:$0x3FB6];
	_ =	sdelay $0x3  }
0x33: {  	p0 =	seq.s32 s10, $0x1;
	s10 =	sld [smem:$0x3FB8];
	_ =	sdelay $0x3  }
0x34: {  	[smem:$0x3FB8] =	sst s10  }
0x35: {  	s10 =	sld [smem:$0x3FB7];
	_ =	sdelay $0x3  }
0x36: {  	p1 =	seq.s32 s10, $0x1;
	s10 =	sld [smem:$0x3FB8];
	_ =	sdelay $0x3  }
0x37: {  	[smem:$0x3FB8] =	sst s10  }
0x38: {  	s10 =	sld [smem:$0x3FB9]  }
0x39: {  	_ = 	snop;
	(pc) =	sbr.ind lr, $3  }
0x3a: {  	_ = 	snop  }
0x3b: {  	_ = 	snop  }
0x3c: {  	p2 =	seq.s32 s10, $0x1;
	s10 =	sld [smem:$0x3FB8]  }
0x3d: {  	_ =	shalt  }
0x3e: {  	_ =	shalt  }
0x3f: {  	_ =	shalt  }
0x40: {  	_ =	shalt  }
0x41: {  	_ =	shalt  }
0x42: {  	_ =	shalt  }
0x43: {  	_ =	shalt  }
0x44: {  	_ =	shalt  }
0x45: {  	_ =	shalt  }
0x46: {  	_ =	shalt  }
0x47: {  	_ =	shalt  }
0x48: {  	_ =	shalt  }
0x49: {  	_ =	shalt  }
0x4a: {  	_ =	shalt  }
0x4b: {  	_ =	shalt  }
0x4c: {  	_ =	shalt  }
0x4d: {  	_ =	shalt  }
0x4e: {  	_ =	shalt  }
0x4f: {  	_ =	shalt  }
0x50: {  	_ =	shalt  }
0x51: {  	_ =	shalt  }
0x52: {  	_ =	shalt  }
0x53: {  	_ =	shalt  }
0x54: {  	_ =	shalt  }
0x55: {  	_ =	shalt  }
0x56: {  	_ =	shalt  }
0x57: {  	_ =	shalt  }
0x58: {  	_ =	shalt  }
0x59: {  	_ =	shalt  }
0x5a: {  	_ =	shalt  }
0x5b: {  	_ =	shalt  }
0x5c: {  	_ =	shalt  }
0x5d: {  	_ =	shalt  }
0x5e: {  	_ =	shalt  }
0x5f: {  	_ =	shalt  }
0x60: {  	_ =	shalt  }
0x61: {  	_ =	shalt  }
0x62: {  	_ =	shalt  }
0x63: {  	_ =	shalt  }
0x64: {  	_ =	shalt  }
0x65: {  	_ =	shalt  }
0x66: {  	_ =	shalt  }
0x67: {  	_ =	shalt  }
0x68: {  	_ =	shalt  }
0x69: {  	_ =	shalt  }
0x6a: {  	_ =	shalt  }
0x6b: {  	_ =	shalt  }
0x6c: {  	_ =	shalt  }
0x6d: {  	_ =	shalt  }
0x6e: {  	_ =	shalt  }
0x6f: {  	_ =	shalt  }
0x70: {  	_ =	shalt  }
0x71: {  	_ =	shalt  }
0x72: {  	_ =	shalt  }
0x73: {  	_ =	shalt  }
0x74: {  	_ =	shalt  }
0x75: {  	_ =	shalt  }
0x76: {  	_ =	shalt  }
0x77: {  	_ =	shalt  }
0x78: {  	_ =	shalt  }
0x79: {  	_ =	shalt  }
0x7a: {  	_ =	shalt  }
0x7b: {  	_ =	shalt  }
0x7c: {  	_ =	shalt  }
0x7d: {  	_ =	shalt  }
0x7e: {  	_ =	shalt  }
0x7f: {  	_ =	shalt  }
0x80: {  	_ =	shalt  }
0x81: {  	_ =	shalt  }
0x82: {  	_ =	shalt  }
0x83: {  	_ =	shalt  }
0x84: {  	_ =	shalt  }
0x85: {  	_ =	shalt  }
0x86: {  	_ =	shalt  }
0x87: {  	_ =	shalt  }
.Lfunc_end0:
.L_simem_size_0:
called_computation_lowered:
.L_overlay_start_0:
0x88: {  	s2 =	sld [smem:$0x3FD9]  }
0x89: {  	s3 =	sld [smem:$0x3FFE];
	_ =	sdelay $0x1  }
0x8a: {  	s1 =	srdreg.scid  }
0x8b: {  	s0 =	sand.u32 $0x1, s1  }
0x8c: {  	s14 =	sshll.u32 s0, $0xA;
	s2 =	sadd.s32 s3, s2  }
0x8d: {  	s2 =	sadd.s32 s2, s14  }
0x8e: {  	[smem:$0x3FC4] =	sst s2  }
0x8f: {  	_ = 	snop  }
0x90: {  	s2 =	sld [smem:$0x3FD0];
	_ =	sdelay $0x2  }
0x91: {  	s4 =	simm.s32 $0xA;
	s5 =	simm.s32 $0x10;
	s15 =	sld [smem:$0x3FC8]  }
0x92: {  	[smem:s5], [sflag:s4] =	dma.local [hbm:s2], $0x1  }
0x93: {  	_ =	swait.eq [sflag:s4], $0x1  }
0x94: {  	[sflag:s4] =	ssyncset.done $0x0  }
0x95: {  	[sflag:s4] =	ssyncadd.s32 $0xFFFFFFFF  }
0x96: {  	s16 =	sld [smem:$0x11];
	(tm) =	ssettm $0x1  }
0x97: {  	s17 =	sld [smem:$0x3FFB];
	_ =	sdelay $0x3  }
0x98: {  	_ =	strace s17  }
0x99: {  	s4 =	sld [smem:$0x3FFC];
	_ =	sdelay $0x3  }
0x9a: {  	_ =	strace s4  }
0x9b: {  	s4 =	sld [smem:$0x3FFD];
	_ =	sdelay $0x3  }
0x9c: {  	_ =	strace s4  }
0x9d: {  	_ =	strace $0x8FFFFFFF  }
0x9e: {  	s18 =	sld [smem:$0x3FDB];
	_ =	sdelay $0x1  }
0x9f: {  	s19 =	simm.s32 $_scs_section_size  }
0xa0: {  	s6 =	simm.s32 $_size__tile_overlayer_lowered;
	s7 =	simm.s32 $_tile_overlayer_lowered  }
0xa1: {  	s22 =	simm.s32 $0x1BFF;
	s21 =	sshll.u32 s7, $0x1;
	s4 =	sadd.s32 s19, s18  }
0xa2: {  	s8 =	simm.s32 $0x0;
	s20 =	sshll.u32 s6, $0x1;
	s6 =	sadd.s32 s21, s4  }
0xa3: {  	[timem:s8], [sflag:s22] =	dma.local [hbm:s6], s20  }
0xa4: {  	_ =	swait.ge [sflag:s22], s20  }
0xa5: {  	s5 =	ssub.s32 $0x0, s20;
	[sflag:s22] =	ssyncset.done $0x0  }
0xa6: {  	[sflag:s22] =	ssyncadd.s32 s5;
	_ =	sdelay $0x1  }
0xa7: {  	s23 =	simm.s32 $0x1B8B  }
0xa8: {  	_ =	swait.ge [sflag:s23], $0x1  }
0xa9: {  	[sflag:s23] =	ssyncset.done $0x0  }
0xaa: {  	s25 =	simm.s32 $0x1B8E;
	s24 =	sld [smem:$0x3FFE];
	[sflag:s23] =	ssyncadd.s32 $0xFFFFFFFF  }
0xab: {  	s26 =	simm.s32 $execute0_lowered;
	[smem:$0x3FD2] =	sst s25  }
0xac: {  	s6 =	sshll.u32 s26, $0x1;
	_ =	strace $0x80000046;
	[dreg:$0x1] =	wrdreg $0xFFFFFFFF  }
0xad: {  	s28 =	simm.s32 $_size_execute0_lowered;
	s4 =	sadd.s32 s4, s6;
	[dreg:$0x0] =	wrdreg $0x0  }
0xae: {  	s6 =	sshll.u32 s28, $0x1;
	[dreg:$0x2] =	wrdreg s4  }
0xaf: {  	[dreg:$0x3] =	wrdreg s6  }
0xb0: {  	[dreg:$0x4] =	wrdreg $0xC0  }
0xb1: {  	_ =	task [dreg:s8], $0x5FFFF  }
0xb2: {  	[dreg:$0x1] =	wrdreg $0xFFFFFFFF  }
0xb3: {  	[dreg:$0x0] =	wrdreg $0x60  }
0xb4: {  	[dreg:$0x2] =	wrdreg s24  }
0xb5: {  	[dreg:$0x3] =	wrdreg s15  }
0xb6: {  	[dreg:$0x4] =	wrdreg s16  }
0xb7: {  	[dreg:$0x5] =	wrdreg $0x64000  }
0xb8: {  	[dreg:$0x6] =	wrdreg $0x9  }
0xb9: {  	_ =	task.clear_ibuf [dreg:s8], $0x7FFFF;
	_ =	strace $0x90000046  }
0xba: {  	s29 =	simm.s32 $0x9;
	_ =	strace $0x80000048  }
0xbb: {  	_ =	swait.ge [sflag:s29], $0x1  }
0xbc: {  	[sflag:s29] =	ssyncadd.s32 $0xFFFFFFFF  }
0xbd: {  	_ =	strace $0x90000048  }
0xbe: {  	_ =	sfence  }
0xbf: {  	s30 =	sld [smem:$0x0];
	_ =	sdelay $0x2  }
0xc0: {  	s31 =	sshll.u32 s1, $0xD;
	s1 =	sshrl.u32 s1, $0x2  }
0xc1: {  	s3 =	sand.u32 $0x4000, s31;
	s1 =	sadd.s32 s1, s30  }
0xc2: {  	s0 =	sor.u32 s3, s0;
	s1 =	sshll.u32 s1, $0x11  }
0xc3: {  	s0 =	sor.u32 s1, s0  }
0xc4: {  	s0 =	sadd.s32 $0x8F2B, s0  }
0xc5: {  	[sflag:s0] =	ssyncadd.remote.s32 $0x1  }
0xc6: {  	_ =	sfence.sel $0xFFFF  }
0xc7: {  	[dreg:$0x0] =	wrdreg $0xFFFFFFFF;
	(pc) =	sbr.abs _section_cstart, $3  }
0xc8: {  	[dreg:$0x1] =	wrdreg $0xFFFFFFFF  }
0xc9: {  	_ =	task.clear_ibuf [dreg:s8], $0x2FFFF;
	_ =	strace $0x9FFFFFFF  }
0xca: {  	(tm) =	ssettm $0x7FFFFFFF  }
0xcb: {  	_ =	shalt  }
tec
execute0_lowered:
.L_overlay_start_1:
0x0: {  	(tag) =	ssettag $0x1  }
0x1: {  	s0 =	rddreg [dreg:$0x0]  }
0x2: {  	s1 =	rddreg [dreg:$0x2]  }
0x3: {  	s3 =	srdreg.scid;
	s10 =	stileid.u32  }
0x4: {  	s2 =	rddreg [dreg:$0x3];
	s13 =	simm.s32 $0x80;
	s14 =	simm.s32 $0x6500  }
0x5: {  	s15 =	simm.s32 $0xA500;
	s17 =	simm.s32 $0xE500;
	s19 =	simm.s32 $0x12500  }
0x6: {  	s28 =	simm.s32 $0x4;
	s29 =	simm.s32 $0x6300;
	s7 =	smul.u32 $0x190, s10  }
0x7: {  	s30 =	simm.s32 $0x6380;
	s9 =	sand.u32 $0x1, s3;
	s24 =	smul.u32 $0xC8000, s10  }
0x8: {  	s31 =	simm.s32 $0x0;
	s4 =	sshll.u32 s10, $0x1;
	s11 =	smul.u32 $0xC8, s9  }
0x9: {  	s3 =	simm.s32 $0x0;
	s4 =	sor.u32 s9, s4;
	s25 =	smul.u32 $0x64000, s9  }
0xa: {  	p0 =	sne.s32 s10, $0x0;
	[smem:$0x7FF] =	sst s3;
	s5 =	smul.u32 $0xC80, s4  }
0xb: {  	s20 =	ssub.s32 $0x2, s9;
	_ =	strace $0x80000047;
	s4 =	smul.u32 $0x320000, s4  }
0xc: {  	s6 =	sshrl.u32 s20, $0x1;
	s26 =	sadd.s32 s24, s1;
	s24 =	simm.s32 $0x1  }
0xd: {  	s12 =	ssub.s32 s20, s6;
	s22 =	sadd.s32 s11, s7;
	s10 =	sadd.s32 s25, s26  }
0xe: {  	s11 =	sshrl.u32 @!p0 s2, $0x3;
	s25 =	simm.s32 $0x2;
	s26 =	simm.s32 $0x3  }
0xf: {  	s0 =	sadd.s32 s5, s0;
	s8 =	sshrl.u32 s4, $0x3;
	s23 =	sshll.u32 s22, $0xB  }
0x10: {  	s22 =	simm.s32 $0x280;
	s4 =	sadd.s32 $0x20E00, s0;
	s21 =	sadd.s32 s1, s8  }
0x11: {  	s8 =	smax.u32 s12, $0x1;
	s0 =	sadd.s32 s23, s1;
	s12 =	simm.s32 $0x5  }
0x12: {  	s23 =	simm.s32 $0x1A500;
	s5 =	sadd.s32 $0x60000, s21;
	s6 =	sadd.s32 $0x61800, s21  }
0x13: {  	s7 =	sadd.s32 $0x63000, s21;
	s9 =	sadd.s32 $0x1800, s0;
	s21 =	simm.s32 $0x16500  }
.LBB2_1:
0x14: {  	s0 =	simm.s32 @!p0 $0x1C05;
	s1 =	rddreg [dreg:$0x1]  }
0x15: {  	[spmem:s11], [sflag:s0] =	dma.local @!p0 [hbm:s1], $0x200  }
0x16: {  	s0 =	simm.s32 @!p0 $0x5  }
0x17: {  	_ =	swait.ge @!p0 [sflag:s0], $0x200  }
0x18: {  	[sflag:s0] =	ssyncset.done @!p0 $0x0  }
0x19: {  	[sflag:s0] =	ssyncadd.s32 @!p0 $0xFFFFFE00  }
0x1a: {  	[bflag:$0x0] =	sbarrier.arrive $0xFFFF  }
0x1b: {  	[tilespmem:s3], [sflag:$0x5] =	stream.linear.gather [hbm4b:s4+s3], $0x6400, $0x38;
	[tilespmem:$0x1E500] =	vst v63  }
0x1c: {  	_ =	swait.ge [sflag:s12], $0x6400  }
0x1d: {  	[sflag:s12] =	ssyncset.done $0x0  }
0x1e: {  	[sflag:s12] =	ssyncadd.s32 $0xFFFF9C00  }
0x1f: {  	[tilespmem:s14], [sflag:$0x1] =	stream.indirect.gather [spmem:s2], $0x80, s3, s13, $0xb8;
	[tilespmem:$0x1E500] =	vst v63  }
0x20: {  	_ = 	snop  }
0x21: {  	[tilespmem:s15], [sflag:$0x1] =	stream.indirect.gather [spmem:s2], $0x80, s13, s13, $0xb8;
	[tilespmem:$0x1E500] =	vst v63  }
0x22: {  	s1 =	simm.s32 $0x100  }
0x23: {  	[tilespmem:s17], [sflag:$0x1] =	stream.indirect.gather [spmem:s2], $0x80, s1, s13, $0xb8;
	[tilespmem:$0x1E500] =	vst v63  }
0x24: {  	s16 =	simm.s32 $0x180  }
0x25: {  	[tilespmem:s19], [sflag:$0x2] =	stream.indirect.gather [spmem:s2], $0x80, s16, s13, $0xb8;
	[tilespmem:$0x1E500] =	vst v63  }
0x26: {  	s18 =	simm.s32 $0x200  }
0x27: {  	[tilespmem:s21], [sflag:$0x2] =	stream.indirect.gather [spmem:s2], $0x80, s18, s13, $0xb8;
	[tilespmem:$0x1E500] =	vst v63  }
0x28: {  	_ = 	snop  }
0x29: {  	[tilespmem:s23], [sflag:$0x2] =	stream.indirect.gather [spmem:s2], $0x80, s22, s13, $0xb8;
	[tilespmem:$0x1E500] =	vst v63  }
0x2a: {  	_ =	swait.ge [sflag:s24], $0xC000  }
0x2b: {  	[sflag:s24] =	ssyncset.done $0x0  }
0x2c: {  	[sflag:s24] =	ssyncadd.s32 $0xFFFF4000  }
0x2d: {  	[hbm4b:s10+s3] =	stream.linear.scatter [tilespmem:s14], [sflag:$0x3], $0xC000, $0x38;
	[tilespmem:$0x1E500] =	vst v63  }
0x2e: {  	_ =	swait.ge [sflag:s25], $0xC000  }
0x2f: {  	[sflag:s25] =	ssyncset.done $0x0  }
0x30: {  	[sflag:s25] =	ssyncadd.s32 $0xFFFF4000  }
0x31: {  	[hbm4b:s9+s3] =	stream.linear.scatter [tilespmem:s19], [sflag:$0x4], $0xC000, $0x38;
	[tilespmem:$0x1E500] =	vst v63  }
0x32: {  	_ =	swait.ge [sflag:s26], $0xC000  }
0x33: {  	[sflag:s26] =	ssyncset.done $0x0  }
0x34: {  	s20 =	simm.s32 $0x300;
	[sflag:s26] =	ssyncadd.s32 $0xFFFF4000  }
0x35: {  	[tilespmem:s14], [sflag:$0x1] =	stream.indirect.gather [spmem:s2], $0x80, s20, s13, $0xb8;
	[tilespmem:$0x1E500] =	vst v63  }
0x36: {  	s1 =	simm.s32 $0x380  }
0x37: {  	[tilespmem:s15], [sflag:$0x1] =	stream.indirect.gather [spmem:s2], $0x80, s1, s13, $0xb8;
	[tilespmem:$0x1E500] =	vst v63  }
0x38: {  	s16 =	simm.s32 $0x400  }
0x39: {  	[tilespmem:s17], [sflag:$0x1] =	stream.indirect.gather [spmem:s2], $0x80, s16, s13, $0xb8;
	[tilespmem:$0x1E500] =	vst v63  }
0x3a: {  	_ =	swait.ge [sflag:s28], $0xC000  }
0x3b: {  	s0 =	sadd.s32 $0x3000, s9;
	[sflag:s28] =	ssyncset.done $0x0  }
0x3c: {  	s18 =	simm.s32 $0x480;
	s20 =	simm.s32 $0x500;
	[sflag:s28] =	ssyncadd.s32 $0xFFFF4000  }
0x3d: {  	[tilespmem:s19], [sflag:$0x2] =	stream.indirect.gather [spmem:s2], $0x80, s18, s13, $0xb8;
	[tilespmem:$0x1E500] =	vst v63  }
0x3e: {  	s1 =	simm.s32 $0xC00;
	s16 =	sadd.s32 $0x3000, s10;
	s18 =	simm.s32 $0x580  }
0x3f: {  	[tilespmem:s21], [sflag:$0x2] =	stream.indirect.gather [spmem:s2], $0x80, s20, s13, $0xb8;
	[tilespmem:$0x1E500] =	vst v63  }
.LBB2_2:
0x40: {  	[tilespmem:s23], [sflag:$0x2] =	stream.indirect.gather [spmem:s2], $0x80, s18, s13, $0xb8;
	[tilespmem:$0x1E500] =	vst v63  }
0x41: {  	s18 =	smov.u32 s1  }
0x42: {  	p1 =	sne.s32 s1, $0x17400;
	s1 =	sadd.s32 $0xC00, s1;
	_ =	swait.ge [sflag:s24], $0xC000  }
0x43: {  	[sflag:s24] =	ssyncset.done $0x0  }
0x44: {  	[sflag:s24] =	ssyncadd.s32 $0xFFFF4000  }
0x45: {  	[hbm4b:s16+s3] =	stream.linear.scatter [tilespmem:s14], [sflag:$0x3], $0xC000, $0x38;
	[tilespmem:$0x1E500] =	vst v63  }
0x46: {  	_ =	swait.ge [sflag:s25], $0xC000  }
0x47: {  	[sflag:s25] =	ssyncset.done $0x0  }
0x48: {  	[sflag:s25] =	ssyncadd.s32 $0xFFFF4000  }
0x49: {  	[hbm4b:s0+s3] =	stream.linear.scatter [tilespmem:s19], [sflag:$0x4], $0xC000, $0x38;
	[tilespmem:$0x1E500] =	vst v63  }
0x4a: {  	_ =	swait.ge [sflag:s26], $0xC000  }
0x4b: {  	s18 =	sshra.s32 s18, $0x2;
	[sflag:s26] =	ssyncset.done $0x0  }
0x4c: {  	s20 =	sadd.s32 $0x300, s18;
	[sflag:s26] =	ssyncadd.s32 $0xFFFF4000  }
0x4d: {  	[tilespmem:s14], [sflag:$0x1] =	stream.indirect.gather [spmem:s2], $0x80, s20, s13, $0xb8;
	[tilespmem:$0x1E500] =	vst v63  }
0x4e: {  	s20 =	sadd.s32 $0x380, s18  }
0x4f: {  	[tilespmem:s15], [sflag:$0x1] =	stream.indirect.gather [spmem:s2], $0x80, s20, s13, $0xb8;
	[tilespmem:$0x1E500] =	vst v63  }
0x50: {  	s20 =	sadd.s32 $0x400, s18  }
0x51: {  	[tilespmem:s17], [sflag:$0x1] =	stream.indirect.gather [spmem:s2], $0x80, s20, s13, $0xb8;
	[tilespmem:$0x1E500] =	vst v63  }
0x52: {  	_ =	swait.ge [sflag:s28], $0xC000  }
0x53: {  	[sflag:s28] =	ssyncset.done $0x0  }
.Ltmp0:
0x54: {  	s20 =	sadd.s32 $0x480, s18;
	[sflag:s28] =	ssyncadd.s32 $0xFFFF4000;
	(pc) =	sbr.rel @p1 .LBB2_2-.Ltmp0, $4  }
0x55: {  	[tilespmem:s19], [sflag:$0x2] =	stream.indirect.gather [spmem:s2], $0x80, s20, s13, $0xb8;
	[tilespmem:$0x1E500] =	vst v63  }
0x56: {  	s20 =	sadd.s32 $0x500, s18  }
0x57: {  	[tilespmem:s21], [sflag:$0x2] =	stream.indirect.gather [spmem:s2], $0x80, s20, s13, $0xb8;
	[tilespmem:$0x1E500] =	vst v63  }
0x58: {  	s16 =	sadd.s32 $0x3000, s16;
	s0 =	sadd.s32 $0x3000, s0;
	s18 =	sadd.s32 $0x580, s18  }
0x59: {  	[tilespmem:s23], [sflag:$0x2] =	stream.indirect.gather [spmem:s2], $0x80, s18, s13, $0xb8;
	[tilespmem:$0x1E500] =	vst v63  }
0x5a: {  	_ =	swait.ge [sflag:s24], $0xC000  }
0x5b: {  	[sflag:s24] =	ssyncset.done $0x0  }
0x5c: {  	[sflag:s24] =	ssyncadd.s32 $0xFFFF4000  }
0x5d: {  	[hbm4b:s5+s3] =	stream.linear.scatter [tilespmem:s14], [sflag:$0x3], $0xC000, $0x38;
	[tilespmem:$0x1E500] =	vst v63  }
0x5e: {  	_ =	swait.ge [sflag:s25], $0xC000  }
0x5f: {  	[sflag:s25] =	ssyncset.done $0x0  }
0x60: {  	[sflag:s25] =	ssyncadd.s32 $0xFFFF4000  }
0x61: {  	[hbm4b:s6+s3] =	stream.linear.scatter [tilespmem:s19], [sflag:$0x4], $0xC000, $0x38;
	[tilespmem:$0x1E500] =	vst v63  }
0x62: {  	_ =	swait.ge [sflag:s26], $0xC000  }
0x63: {  	[sflag:s26] =	ssyncset.done $0x0  }
0x64: {  	[sflag:s26] =	ssyncadd.s32 $0xFFFF4000  }
0x65: {  	[tilespmem:s14], [sflag:$0x1] =	stream.indirect.gather [spmem:s2], $0x80, s29, s13, $0xb8;
	[tilespmem:$0x1E500] =	vst v63  }
0x66: {  	_ = 	snop  }
0x67: {  	[tilespmem:s15], [sflag:$0x1] =	stream.indirect.gather [spmem:s2], $0x80, s30, s13, $0xb8;
	[tilespmem:$0x1E500] =	vst v63  }
0x68: {  	_ =	swait.ge [sflag:s24], $0x8000  }
0x69: {  	[sflag:s24] =	ssyncset.done $0x0  }
0x6a: {  	s31 =	sadd.s32 $0x1, s31;
	[sflag:s24] =	ssyncadd.s32 $0xFFFF8000  }
0x6b: {  	[hbm4b:s7+s3] =	stream.linear.scatter [tilespmem:s14], [sflag:$0x3], $0x8000, $0x38;
	[tilespmem:$0x1E500] =	vst v63  }
0x6c: {  	p1 =	sne.s32 s31, s8;
	_ =	swait.ge [sflag:s26], $0x8000  }
.Ltmp1:
0x6d: {  	[sflag:s26] =	ssyncset.done $0x0;
	(pc) =	sbr.rel @p1 .LBB2_1-.Ltmp1, $4  }
0x6e: {  	[sflag:s26] =	ssyncadd.s32 $0xFFFF8000  }
0x6f: {  	_ =	swait.ge [sflag:s28], $0xC000  }
0x70: {  	[sflag:s28] =	ssyncset.done $0x0  }
0x71: {  	[sflag:s28] =	ssyncadd.s32 $0xFFFF4000  }
0x72: {  	_ =	sfence.sel $0x180000  }
0x73: {  	[bflag:$0x0] =	sbarrier.arrive $0xFFFF  }
0x74: {  	_ =	strace $0x90000047  }
0x75: {  	[bflag:$0x2] =	sbarrier.arrive $0xFFFF  }
0x76: {  	s0 =	rddreg [dreg:$0x4]  }
0x77: {  	s0 =	sadd.s32 @!p0 $0x100000, s0  }
0x78: {  	[sflag:s0] =	ssyncadd.tile.s32 @!p0 $0x1;
	_ =	shalt  }
.Lfunc_end2:
_tile_overlayer_lowered:
.L_overlay_start_2:
0x79: {  	(tag) =	ssettag $0x2  }
0x7a: {  	s0 =	rddreg [dreg:$0x0];
	s2 =	stileid.u32  }
0x7b: {  	s1 =	rddreg [dreg:$0x1];
	p0 =	sne.s32 s2, $0x0  }
0x7c: {  	s3 =	rddreg [dreg:$0x2];
	[bflag:$0x3] =	sbarrier.arrive $0xFFFF;
	s2 =	simm.s32 @!p0 $0x1C05  }
0x7d: {  	[timem:s3], [sflag:s2] =	dma.local @!p0 [hbm:s0], s1  }
0x7e: {  	s0 =	simm.s32 @!p0 $0x5  }
0x7f: {  	_ =	swait.ge @!p0 [sflag:s0], s1  }
0x80: {  	s1 =	ssub.s32 @!p0 $0x0, s1;
	[sflag:s0] =	ssyncset.done @!p0 $0x0  }
0x81: {  	[sflag:s0] =	ssyncadd.s32 @!p0 s1  }
0x82: {  	[bflag:$0x3] =	sbarrier.arrive $0xFFFF  }
0x83: {  	_ =	shalt  }

</sc_bundles>
